<compile_context>
chip_gen: v7x
topology: tpu7x:2x2x1
jax: 0.10.2.dev20260603
libtpu: 0.0.44.dev20260713+nightly
codegen_flags: <defaults>
</compile_context>

<pallas_src>
import functools

import jax
import jax.numpy as jnp
from jax import lax
from jax.experimental import pallas as pl
from jax.experimental.pallas import tpu as pltpu
from jax.experimental.pallas import tpu_sc as plsc

N = 10000
E = 320000
D = 128
NC, NS = 2, 16
NW = NC * NS
EPT = E // NW
G = 40
NCH = EPT // G
NP = 10240
RPT = NP // NS

_MESH = plsc.VectorSubcoreMesh(
    core_axis_name="c", subcore_axis_name="s", num_cores=NC, num_subcores=NS)


def _seg_body(with_deg, feat, srcs, dsts, zf, zd, ones, out, deg_out,
              src_v, dst_v, rows, gsems, ssems, dsems, zsem, acc, ones_v,
              dacc):
  cid = lax.axis_index("c")
  sid = lax.axis_index("s")
  wid = cid * NS + sid

  pltpu.async_copy(zf, acc.at[pl.ds(sid * RPT, RPT)], zsem)
  if with_deg:
    @pl.when(sid == 0)
    def _():
      pltpu.sync_copy(zd, dacc)
    pltpu.sync_copy(ones, ones_v)
  pltpu.sync_copy(srcs.at[pl.ds(wid * EPT, EPT)], src_v)
  pltpu.sync_copy(dsts.at[pl.ds(wid * EPT, EPT)], dst_v)

  def gstart(j, k):
    off = pl.multiple_of(j * G, 8)
    pltpu.async_copy(feat.at[src_v.at[pl.ds(off, G)]], rows[k], gsems[k])

  def gwait(k):
    pltpu.make_async_copy(feat.at[src_v.at[pl.ds(0, G)]], rows[k],
                          gsems[k]).wait()

  def sstart(j, k):
    off = pl.multiple_of(j * G, 8)
    dv = dst_v.at[pl.ds(off, G)]
    pltpu.async_copy(rows[k], acc.at[dv], ssems[k], add=True)
    if with_deg:
      pltpu.async_copy(ones_v, dacc.at[dv], dsems[k], add=True)

  def swait(k):
    dv = dst_v.at[pl.ds(0, G)]
    pltpu.make_async_copy(rows[k], acc.at[dv], ssems[k]).wait()
    if with_deg:
      pltpu.make_async_copy(ones_v, dacc.at[dv], dsems[k]).wait()

  gstart(0, 0)
  gstart(1, 1)
  pltpu.make_async_copy(zf, acc.at[pl.ds(0, RPT)], zsem).wait()
  plsc.subcore_barrier()
  gwait(0); sstart(0, 0); gstart(2, 2)
  gwait(1); sstart(1, 1); gstart(3, 3)
  gwait(2); sstart(2, 2); swait(0); gstart(4, 0)
  gwait(3); sstart(3, 3); swait(1); gstart(5, 1)

  def quad(i, carry):
    j = 4 * i
    gwait(0); sstart(j, 0); swait(2); gstart(j + 2, 2)
    gwait(1); sstart(j + 1, 1); swait(3); gstart(j + 3, 3)
    gwait(2); sstart(j + 2, 2); swait(0); gstart(j + 4, 0)
    gwait(3); sstart(j + 3, 3); swait(1); gstart(j + 5, 1)
    return carry

  lax.fori_loop(1, (NCH - 2) // 4, quad, 0)
  gwait(0); sstart(NCH - 2, 0); swait(2)
  gwait(1); sstart(NCH - 1, 1); swait(3)
  swait(0)
  swait(1)
  plsc.subcore_barrier()

  pltpu.sync_copy(acc.at[pl.ds(sid * RPT, RPT)],
                  out.at[cid, pl.ds(sid * RPT, RPT)])
  if with_deg:
    @pl.when(sid == 0)
    def _():
      pltpu.sync_copy(dacc, deg_out.at[cid])


def _make_seg(with_deg):
  out_type = [jax.ShapeDtypeStruct((NC, NP, D), jnp.float32)]
  if with_deg:
    out_type.append(jax.ShapeDtypeStruct((NC, N), jnp.float32))
  rows_t = tuple(pltpu.VMEM((G, D), jnp.float32) for _ in range(4))
  sems_t = tuple(pltpu.SemaphoreType.DMA for _ in range(4))
  scratch = [
      pltpu.VMEM((EPT,), jnp.int32),
      pltpu.VMEM((EPT,), jnp.int32),
      rows_t,
      sems_t,
      sems_t,
      sems_t if with_deg else None,
      pltpu.SemaphoreType.DMA,
      pltpu.VMEM_SHARED((NP, D), jnp.float32),
      pltpu.VMEM((G,), jnp.float32) if with_deg else None,
      pltpu.VMEM_SHARED((N,), jnp.float32) if with_deg else None,
  ]
  scratch = [s for s in scratch if s is not None]

  if with_deg:
    def body(feat, srcs, dsts, zf, zd, ones, out, deg_out,
             src_v, dst_v, rows, gsems, ssems, dsems, zsem, acc, ones_v,
             dacc):
      _seg_body(True, feat, srcs, dsts, zf, zd, ones, out, deg_out,
                src_v, dst_v, rows, gsems, ssems, dsems, zsem, acc, ones_v,
                dacc)
  else:
    def body(feat, srcs, dsts, zf, out,
             src_v, dst_v, rows, gsems, ssems, zsem, acc):
      _seg_body(False, feat, srcs, dsts, zf, None, None, out, None,
                src_v, dst_v, rows, gsems, ssems, None, zsem, acc, None,
                None)

  return pl.kernel(body, out_type=out_type, mesh=_MESH, scratch_types=scratch)


_seg_sum_deg = _make_seg(True)
_seg_sum = _make_seg(False)

R = 2000


def _dense1_body(acc_ref, deg_ref, x_ref, wl_ref, bl_ref, wr_ref,
                 h_ref, dc_ref):
  a = acc_ref[0] + acc_ref[1]
  d = deg_ref[0] + deg_ref[1]
  dc = jnp.maximum(d, 1.0)
  mean = a / dc
  hl = lax.dot_general(mean, wl_ref[...], (((1,), (1,)), ((), ())),
                       preferred_element_type=jnp.float32)
  hr = lax.dot_general(x_ref[...], wr_ref[...], (((1,), (1,)), ((), ())),
                       preferred_element_type=jnp.float32)
  h_ref[...] = jnp.maximum(hl + bl_ref[0] + hr, 0.0)
  dc_ref[...] = dc


def _dense2_body(acc_ref, dc_ref, h_ref, wl_ref, bl_ref, wr_ref, out_ref):
  a = acc_ref[0] + acc_ref[1]
  mean = a / dc_ref[...]
  ol = lax.dot_general(mean, wl_ref[...], (((1,), (1,)), ((), ())),
                       preferred_element_type=jnp.float32)
  orr = lax.dot_general(h_ref[...], wr_ref[...], (((1,), (1,)), ((), ())),
                        preferred_element_type=jnp.float32)
  out_ref[...] = ol + bl_ref[0] + orr


_W_SPEC = pl.BlockSpec((D, D), lambda i: (0, 0))
_B_SPEC = pl.BlockSpec((1, D), lambda i: (0, 0))
_ROW_SPEC = pl.BlockSpec((R, D), lambda i: (i, 0))
_ACC_SPEC = pl.BlockSpec((NC, R, D), lambda i: (0, i, 0))
_DEG_SPEC = pl.BlockSpec((NC, R, 1), lambda i: (0, i, 0))
_DC_SPEC = pl.BlockSpec((R, 1), lambda i: (i, 0))

_dense1 = pl.pallas_call(
    _dense1_body,
    grid=(N // R,),
    in_specs=[_ACC_SPEC, _DEG_SPEC, _ROW_SPEC, _W_SPEC, _B_SPEC, _W_SPEC],
    out_specs=[_ROW_SPEC, _DC_SPEC],
    out_shape=[jax.ShapeDtypeStruct((N, D), jnp.float32),
               jax.ShapeDtypeStruct((N, 1), jnp.float32)],
)

_dense2 = pl.pallas_call(
    _dense2_body,
    grid=(N // R,),
    in_specs=[_ACC_SPEC, _DC_SPEC, _ROW_SPEC, _W_SPEC, _B_SPEC, _W_SPEC],
    out_specs=_ROW_SPEC,
    out_shape=jax.ShapeDtypeStruct((N, D), jnp.float32),
)


def kernel(x, edge_index, W1l, b1l, W1r, W2l, b2l, W2r):
  ei = edge_index.astype(jnp.int32)
  src = ei[0]
  dst = ei[1]
  zf = jnp.zeros((RPT, D), jnp.float32)
  zd = jnp.zeros((N,), jnp.float32)
  ones = jnp.ones((G,), jnp.float32)

  acc1, deg = _seg_sum_deg(x, src, dst, zf, zd, ones)
  h, dclip = _dense1(acc1, deg.reshape(NC, N, 1), x, W1l, b1l.reshape(1, D), W1r)
  acc2, = _seg_sum(h, src, dst, zf)
  out = _dense2(acc2, dclip, h, W2l, b2l.reshape(1, D), W2r)
  return out

# --- scband reference (transcript-rebuilt; emitter-appended) ---
"""Pipeline reference for scband-sage-51694226374714 (READ-ONLY COPY).

The authoritative reference and input builder live on the scoring server;
editing this copy changes nothing except your own understanding.
"""

import jax, jax.numpy as jnp
import numpy as np

N_NODES = 10000
N_EDGES = 320000
D_IN = 128
HIDDEN = 128
N_CLASSES = 128


def setup_inputs(seed: int = 0) -> dict:
    key = jax.random.key(seed)
    ks = jax.random.split(key, 8)
    x = jax.random.normal(ks[0], (N_NODES, D_IN), dtype=jnp.float32)
    edge_index = jax.random.randint(ks[1], (2, N_EDGES), 0, N_NODES, dtype=jnp.int64)
    # SAGEConv layer 1 params: lin_l (neighbor aggregate, with bias), lin_r (root, no bias)
    s1 = 1.0 / np.sqrt(D_IN)
    W1l = jax.random.uniform(ks[2], (HIDDEN, D_IN), jnp.float32, -s1, s1)
    b1l = jnp.zeros((HIDDEN,), jnp.float32)
    W1r = jax.random.uniform(ks[3], (HIDDEN, D_IN), jnp.float32, -s1, s1)
    # SAGEConv layer 2 params
    s2 = 1.0 / np.sqrt(HIDDEN)
    W2l = jax.random.uniform(ks[4], (N_CLASSES, HIDDEN), jnp.float32, -s2, s2)
    b2l = jnp.zeros((N_CLASSES,), jnp.float32)
    W2r = jax.random.uniform(ks[5], (N_CLASSES, HIDDEN), jnp.float32, -s2, s2)
    return {"x": x, "edge_index": edge_index, "W1l": W1l, "b1l": b1l, "W1r": W1r,
            "W2l": W2l, "b2l": b2l, "W2r": W2r}


def _sage_conv(x, edge_index, Wl, bl, Wr):
    # PyG SAGEConv with default mean aggregation:
    #   out_i = Wl @ mean_{j in N(i)} x_j + bl + Wr @ x_i
    src = edge_index[0]
    dst = edge_index[1]
    n = x.shape[0]
    msgs = jnp.take(x, src, axis=0)                      # gather neighbor features [E, d]
    summed = jax.ops.segment_sum(msgs, dst, num_segments=n)  # scatter-add to dst nodes
    deg = jax.ops.segment_sum(jnp.ones((edge_index.shape[1],), jnp.float32), dst, num_segments=n)
    mean = summed / jnp.clip(deg, 1.0, None)[:, None]
    return mean @ Wl.T + bl + x @ Wr.T


def reference(x, edge_index, W1l, b1l, W1r, W2l, b2l, W2r):
    h = _sage_conv(x, edge_index, W1l, b1l, W1r)
    h = jax.nn.relu(h)
    # dropout p=0.0 (and eval mode) -> identity
    out = _sage_conv(h, edge_index, W2l, b2l, W2r)
    return out

if __name__ == "__main__":
    import jax
    _d = setup_inputs()
    print(jax.jit(kernel)(*tuple(_d.values())))

</pallas_src>

<mosaic_0001>
#map = affine_map<(d0, d1) -> (0, 0)>
#map1 = affine_map<(d0, d1) -> (0)>
#map2 = affine_map<(d0, d1) -> (0, 0, 0)>
module attributes {stable_mosaic.version = 14 : i64} {
  func.func @body(%arg0: i32, %arg1: i32, %arg2: memref<10000x128xf32, #tpu.memory_space<hbm>>, %arg3: memref<320000xi32, #tpu.memory_space<hbm>>, %arg4: memref<320000xi32, #tpu.memory_space<hbm>>, %arg5: memref<640x128xf32, #tpu.memory_space<hbm>>, %arg6: memref<2x10240x128xf32, #tpu.memory_space<hbm>>, %arg7: memref<10000xi32, #tpu.memory_space<vmem>>, %arg8: memref<10000xi32, #tpu.memory_space<vmem>>, %arg9: memref<40x128xf32, #tpu.memory_space<vmem>>, %arg10: memref<40x128xf32, #tpu.memory_space<vmem>>, %arg11: memref<40x128xf32, #tpu.memory_space<vmem>>, %arg12: memref<40x128xf32, #tpu.memory_space<vmem>>, %arg13: memref<!tpu.dma_semaphore, #tpu.memory_space<semaphore_mem>>, %arg14: memref<!tpu.dma_semaphore, #tpu.memory_space<semaphore_mem>>, %arg15: memref<!tpu.dma_semaphore, #tpu.memory_space<semaphore_mem>>, %arg16: memref<!tpu.dma_semaphore, #tpu.memory_space<semaphore_mem>>, %arg17: memref<!tpu.dma_semaphore, #tpu.memory_space<semaphore_mem>>, %arg18: memref<!tpu.dma_semaphore, #tpu.memory_space<semaphore_mem>>, %arg19: memref<!tpu.dma_semaphore, #tpu.memory_space<semaphore_mem>>, %arg20: memref<!tpu.dma_semaphore, #tpu.memory_space<semaphore_mem>>, %arg21: memref<!tpu.dma_semaphore, #tpu.memory_space<semaphore_mem>>, %arg22: memref<10240x128xf32, #tpu.memory_space<vmem_shared>>) attributes {dimension_semantics = [#tpu.dimension_semantics<core_parallel>, #tpu.dimension_semantics<subcore_parallel>], iteration_bounds = array<i64: 2, 16>, scalar_prefetch = 0 : i64, scratch_operands = 16 : i64, tpu.core_type = #tpu.core_type<sc_vector_subcore>, window_params = [{transform_indices = #map}, {transform_indices = #map1}, {transform_indices = #map1}, {transform_indices = #map}, {transform_indices = #map2}]} {
    %mul3A = arith.constant 16 : i32
    %mul3A_0 = arith.muli %arg0, %mul3A : i32
    %add3A = arith.addi %mul3A_0, %arg1 : i32
    %mul3A_1 = arith.constant 640 : i32
    %mul3A_2 = arith.muli %arg1, %mul3A_1 : i32
    %dma_start3A = arith.constant 0 : i32
    %dma_start3A_3 = tpu.memref_slice %arg22[%mul3A_2, %dma_start3A] : memref<10240x128xf32, #tpu.memory_space<vmem_shared>> -> memref<640x128xf32, #tpu.memory_space<vmem_shared>>
    tpu.enqueue_dma source(%arg5 : memref<640x128xf32, #tpu.memory_space<hbm>>) target(%dma_start3A_3 : memref<640x128xf32, #tpu.memory_space<vmem_shared>>) target_semaphore(%arg21 : memref<!tpu.dma_semaphore, #tpu.memory_space<semaphore_mem>>)
    %mul3A_4 = arith.constant 10000 : i32
    %mul3A_5 = arith.muli %add3A, %mul3A_4 : i32
    "tpu.region"() ({
      %run_scoped3A = tpu.sem_alloc : memref<!tpu.dma_semaphore, #tpu.memory_space<semaphore_mem>>
      %dma_start3A_151 = tpu.memref_slice %arg3[%mul3A_5] : memref<320000xi32, #tpu.memory_space<hbm>> -> memref<10000xi32, #tpu.memory_space<hbm>>
      %dma_start3A_152 = tpu.memref_slice %arg3[%mul3A_5] : memref<320000xi32, #tpu.memory_space<hbm>> -> memref<10000xi32, #tpu.memory_space<hbm>>
      tpu.enqueue_dma source(%dma_start3A_152 : memref<10000xi32, #tpu.memory_space<hbm>>) target(%arg7 : memref<10000xi32, #tpu.memory_space<vmem>>) target_semaphore(%run_scoped3A : memref<!tpu.dma_semaphore, #tpu.memory_space<semaphore_mem>>)
      %dma_wait3A_153 = tpu.memref_slice %arg3[%mul3A_5] : memref<320000xi32, #tpu.memory_space<hbm>> -> memref<10000xi32, #tpu.memory_space<hbm>>
      %dma_wait3A_154 = tpu.memref_slice %arg3[%mul3A_5] : memref<320000xi32, #tpu.memory_space<hbm>> -> memref<10000xi32, #tpu.memory_space<hbm>>
      tpu.wait_dma2 semaphore(%run_scoped3A : memref<!tpu.dma_semaphore, #tpu.memory_space<semaphore_mem>>) src(%dma_wait3A_154 : memref<10000xi32, #tpu.memory_space<hbm>>) dst(%arg7 : memref<10000xi32, #tpu.memory_space<vmem>>)
      tpu.yield
    }) : () -> ()
    %mul3A_6 = arith.constant 10000 : i32
    %mul3A_7 = arith.muli %add3A, %mul3A_6 : i32
    "tpu.region"() ({
      %run_scoped3A = tpu.sem_alloc : memref<!tpu.dma_semaphore, #tpu.memory_space<semaphore_mem>>
      %dma_start3A_151 = tpu.memref_slice %arg4[%mul3A_7] : memref<320000xi32, #tpu.memory_space<hbm>> -> memref<10000xi32, #tpu.memory_space<hbm>>
      %dma_start3A_152 = tpu.memref_slice %arg4[%mul3A_7] : memref<320000xi32, #tpu.memory_space<hbm>> -> memref<10000xi32, #tpu.memory_space<hbm>>
      tpu.enqueue_dma source(%dma_start3A_152 : memref<10000xi32, #tpu.memory_space<hbm>>) target(%arg8 : memref<10000xi32, #tpu.memory_space<vmem>>) target_semaphore(%run_scoped3A : memref<!tpu.dma_semaphore, #tpu.memory_space<semaphore_mem>>)
      %dma_wait3A_153 = tpu.memref_slice %arg4[%mul3A_7] : memref<320000xi32, #tpu.memory_space<hbm>> -> memref<10000xi32, #tpu.memory_space<hbm>>
      %dma_wait3A_154 = tpu.memref_slice %arg4[%mul3A_7] : memref<320000xi32, #tpu.memory_space<hbm>> -> memref<10000xi32, #tpu.memory_space<hbm>>
      tpu.wait_dma2 semaphore(%run_scoped3A : memref<!tpu.dma_semaphore, #tpu.memory_space<semaphore_mem>>) src(%dma_wait3A_154 : memref<10000xi32, #tpu.memory_space<hbm>>) dst(%arg8 : memref<10000xi32, #tpu.memory_space<vmem>>)
      tpu.yield
    }) : () -> ()
    %multiple_of3A = arith.constant 0 : i32
    %multiple_of3A_8 = tpu.assume_multiple %multiple_of3A, 8 : i32
    %dma_start3A_9 = tpu.memref_slice %arg7[%multiple_of3A_8] : memref<10000xi32, #tpu.memory_space<vmem>> -> memref<40xi32, #tpu.memory_space<vmem>>
    %dma_start3A_10 = arith.constant 0 : i32
    %dma_start3A_11 = arith.constant 0 : i32
    %dma_start3A_12 = tpu.memref_slice %arg2[%dma_start3A_10, %dma_start3A_11] : memref<10000x128xf32, #tpu.memory_space<hbm>> -> memref<10000x128xf32, #tpu.memory_space<hbm>>
    tpu.enqueue_indirect_dma source(%dma_start3A_12 : memref<10000x128xf32, #tpu.memory_space<hbm>>) target(%arg9 : memref<40x128xf32, #tpu.memory_space<vmem>>) offsets(%dma_start3A_9 : memref<40xi32, #tpu.memory_space<vmem>>) semaphore(%arg13 : memref<!tpu.dma_semaphore, #tpu.memory_space<semaphore_mem>>)
    %multiple_of3A_13 = arith.constant 40 : i32
    %multiple_of3A_14 = tpu.assume_multiple %multiple_of3A_13, 8 : i32
    %dma_start3A_15 = tpu.memref_slice %arg7[%multiple_of3A_14] : memref<10000xi32, #tpu.memory_space<vmem>> -> memref<40xi32, #tpu.memory_space<vmem>>
    %dma_start3A_16 = arith.constant 0 : i32
    %dma_start3A_17 = arith.constant 0 : i32
    %dma_start3A_18 = tpu.memref_slice %arg2[%dma_start3A_16, %dma_start3A_17] : memref<10000x128xf32, #tpu.memory_space<hbm>> -> memref<10000x128xf32, #tpu.memory_space<hbm>>
    tpu.enqueue_indirect_dma source(%dma_start3A_18 : memref<10000x128xf32, #tpu.memory_space<hbm>>) target(%arg10 : memref<40x128xf32, #tpu.memory_space<vmem>>) offsets(%dma_start3A_15 : memref<40xi32, #tpu.memory_space<vmem>>) semaphore(%arg14 : memref<!tpu.dma_semaphore, #tpu.memory_space<semaphore_mem>>)
    %dma_wait3A = arith.constant 0 : i32
    %dma_wait3A_19 = arith.constant 0 : i32
    %dma_wait3A_20 = tpu.memref_slice %arg22[%dma_wait3A, %dma_wait3A_19] : memref<10240x128xf32, #tpu.memory_space<vmem_shared>> -> memref<640x128xf32, #tpu.memory_space<vmem_shared>>
    tpu.wait_dma2 semaphore(%arg21 : memref<!tpu.dma_semaphore, #tpu.memory_space<semaphore_mem>>) src(%arg5 : memref<640x128xf32, #tpu.memory_space<hbm>>) dst(%dma_wait3A_20 : memref<640x128xf32, #tpu.memory_space<vmem_shared>>)
    %barrier3A = arith.constant 0 : index
    tpu.barrier barrier_id(%barrier3A)
    %dma_wait3A_21 = arith.constant 0 : i32
    %dma_wait3A_22 = tpu.memref_slice %arg7[%dma_wait3A_21] : memref<10000xi32, #tpu.memory_space<vmem>> -> memref<40xi32, #tpu.memory_space<vmem>>
    %dma_wait3A_23 = arith.constant 0 : i32
    %dma_wait3A_24 = arith.constant 0 : i32
    %dma_wait3A_25 = tpu.memref_slice %arg2[%dma_wait3A_23, %dma_wait3A_24] : memref<10000x128xf32, #tpu.memory_space<hbm>> -> memref<10000x128xf32, #tpu.memory_space<hbm>>
    tpu.wait_indirect_dma semaphore(%arg13 : memref<!tpu.dma_semaphore, #tpu.memory_space<semaphore_mem>>) src(%dma_wait3A_25 : memref<10000x128xf32, #tpu.memory_space<hbm>>) dst(%arg9 : memref<40x128xf32, #tpu.memory_space<vmem>>)
    %multiple_of3A_26 = arith.constant 0 : i32
    %multiple_of3A_27 = tpu.assume_multiple %multiple_of3A_26, 8 : i32
    %dma_start3A_28 = tpu.memref_slice %arg8[%multiple_of3A_27] : memref<10000xi32, #tpu.memory_space<vmem>> -> memref<40xi32, #tpu.memory_space<vmem>>
    %dma_start3A_29 = arith.constant 0 : i32
    %dma_start3A_30 = arith.constant 0 : i32
    %dma_start3A_31 = tpu.memref_slice %arg22[%dma_start3A_29, %dma_start3A_30] : memref<10240x128xf32, #tpu.memory_space<vmem_shared>> -> memref<10240x128xf32, #tpu.memory_space<vmem_shared>>
    tpu.enqueue_indirect_dma source(%arg9 : memref<40x128xf32, #tpu.memory_space<vmem>>) target(%dma_start3A_31 : memref<10240x128xf32, #tpu.memory_space<vmem_shared>>) offsets(%dma_start3A_28 : memref<40xi32, #tpu.memory_space<vmem>>) semaphore(%arg17 : memref<!tpu.dma_semaphore, #tpu.memory_space<semaphore_mem>>) {add = true}
    %multiple_of3A_32 = arith.constant 80 : i32
    %multiple_of3A_33 = tpu.assume_multiple %multiple_of3A_32, 8 : i32
    %dma_start3A_34 = tpu.memref_slice %arg7[%multiple_of3A_33] : memref<10000xi32, #tpu.memory_space<vmem>> -> memref<40xi32, #tpu.memory_space<vmem>>
    %dma_start3A_35 = arith.constant 0 : i32
    %dma_start3A_36 = arith.constant 0 : i32
    %dma_start3A_37 = tpu.memref_slice %arg2[%dma_start3A_35, %dma_start3A_36] : memref<10000x128xf32, #tpu.memory_space<hbm>> -> memref<10000x128xf32, #tpu.memory_space<hbm>>
    tpu.enqueue_indirect_dma source(%dma_start3A_37 : memref<10000x128xf32, #tpu.memory_space<hbm>>) target(%arg11 : memref<40x128xf32, #tpu.memory_space<vmem>>) offsets(%dma_start3A_34 : memref<40xi32, #tpu.memory_space<vmem>>) semaphore(%arg15 : memref<!tpu.dma_semaphore, #tpu.memory_space<semaphore_mem>>)
    %dma_wait3A_38 = arith.constant 0 : i32
    %dma_wait3A_39 = tpu.memref_slice %arg7[%dma_wait3A_38] : memref<10000xi32, #tpu.memory_space<vmem>> -> memref<40xi32, #tpu.memory_space<vmem>>
    %dma_wait3A_40 = arith.constant 0 : i32
    %dma_wait3A_41 = arith.constant 0 : i32
    %dma_wait3A_42 = tpu.memref_slice %arg2[%dma_wait3A_40, %dma_wait3A_41] : memref<10000x128xf32, #tpu.memory_space<hbm>> -> memref<10000x128xf32, #tpu.memory_space<hbm>>
    tpu.wait_indirect_dma semaphore(%arg14 : memref<!tpu.dma_semaphore, #tpu.memory_space<semaphore_mem>>) src(%dma_wait3A_42 : memref<10000x128xf32, #tpu.memory_space<hbm>>) dst(%arg10 : memref<40x128xf32, #tpu.memory_space<vmem>>)
    %multiple_of3A_43 = arith.constant 40 : i32
    %multiple_of3A_44 = tpu.assume_multiple %multiple_of3A_43, 8 : i32
    %dma_start3A_45 = tpu.memref_slice %arg8[%multiple_of3A_44] : memref<10000xi32, #tpu.memory_space<vmem>> -> memref<40xi32, #tpu.memory_space<vmem>>
    %dma_start3A_46 = arith.constant 0 : i32
    %dma_start3A_47 = arith.constant 0 : i32
    %dma_start3A_48 = tpu.memref_slice %arg22[%dma_start3A_46, %dma_start3A_47] : memref<10240x128xf32, #tpu.memory_space<vmem_shared>> -> memref<10240x128xf32, #tpu.memory_space<vmem_shared>>
    tpu.enqueue_indirect_dma source(%arg10 : memref<40x128xf32, #tpu.memory_space<vmem>>) target(%dma_start3A_48 : memref<10240x128xf32, #tpu.memory_space<vmem_shared>>) offsets(%dma_start3A_45 : memref<40xi32, #tpu.memory_space<vmem>>) semaphore(%arg18 : memref<!tpu.dma_semaphore, #tpu.memory_space<semaphore_mem>>) {add = true}
    %multiple_of3A_49 = arith.constant 120 : i32
    %multiple_of3A_50 = tpu.assume_multiple %multiple_of3A_49, 8 : i32
    %dma_start3A_51 = tpu.memref_slice %arg7[%multiple_of3A_50] : memref<10000xi32, #tpu.memory_space<vmem>> -> memref<40xi32, #tpu.memory_space<vmem>>
    %dma_start3A_52 = arith.constant 0 : i32
    %dma_start3A_53 = arith.constant 0 : i32
    %dma_start3A_54 = tpu.memref_slice %arg2[%dma_start3A_52, %dma_start3A_53] : memref<10000x128xf32, #tpu.memory_space<hbm>> -> memref<10000x128xf32, #tpu.memory_space<hbm>>
    tpu.enqueue_indirect_dma source(%dma_start3A_54 : memref<10000x128xf32, #tpu.memory_space<hbm>>) target(%arg12 : memref<40x128xf32, #tpu.memory_space<vmem>>) offsets(%dma_start3A_51 : memref<40xi32, #tpu.memory_space<vmem>>) semaphore(%arg16 : memref<!tpu.dma_semaphore, #tpu.memory_space<semaphore_mem>>)
    %dma_wait3A_55 = arith.constant 0 : i32
    %dma_wait3A_56 = tpu.memref_slice %arg7[%dma_wait3A_55] : memref<10000xi32, #tpu.memory_space<vmem>> -> memref<40xi32, #tpu.memory_space<vmem>>
    %dma_wait3A_57 = arith.constant 0 : i32
    %dma_wait3A_58 = arith.constant 0 : i32
    %dma_wait3A_59 = tpu.memref_slice %arg2[%dma_wait3A_57, %dma_wait3A_58] : memref<10000x128xf32, #tpu.memory_space<hbm>> -> memref<10000x128xf32, #tpu.memory_space<hbm>>
    tpu.wait_indirect_dma semaphore(%arg15 : memref<!tpu.dma_semaphore, #tpu.memory_space<semaphore_mem>>) src(%dma_wait3A_59 : memref<10000x128xf32, #tpu.memory_space<hbm>>) dst(%arg11 : memref<40x128xf32, #tpu.memory_space<vmem>>)
    %multiple_of3A_60 = arith.constant 80 : i32
    %multiple_of3A_61 = tpu.assume_multiple %multiple_of3A_60, 8 : i32
    %dma_start3A_62 = tpu.memref_slice %arg8[%multiple_of3A_61] : memref<10000xi32, #tpu.memory_space<vmem>> -> memref<40xi32, #tpu.memory_space<vmem>>
    %dma_start3A_63 = arith.constant 0 : i32
    %dma_start3A_64 = arith.constant 0 : i32
    %dma_start3A_65 = tpu.memref_slice %arg22[%dma_start3A_63, %dma_start3A_64] : memref<10240x128xf32, #tpu.memory_space<vmem_shared>> -> memref<10240x128xf32, #tpu.memory_space<vmem_shared>>
    tpu.enqueue_indirect_dma source(%arg11 : memref<40x128xf32, #tpu.memory_space<vmem>>) target(%dma_start3A_65 : memref<10240x128xf32, #tpu.memory_space<vmem_shared>>) offsets(%dma_start3A_62 : memref<40xi32, #tpu.memory_space<vmem>>) semaphore(%arg19 : memref<!tpu.dma_semaphore, #tpu.memory_space<semaphore_mem>>) {add = true}
    %dma_wait3A_66 = arith.constant 0 : i32
    %dma_wait3A_67 = tpu.memref_slice %arg8[%dma_wait3A_66] : memref<10000xi32, #tpu.memory_space<vmem>> -> memref<40xi32, #tpu.memory_space<vmem>>
    %dma_wait3A_68 = arith.constant 0 : i32
    %dma_wait3A_69 = arith.constant 0 : i32
    %dma_wait3A_70 = tpu.memref_slice %arg22[%dma_wait3A_68, %dma_wait3A_69] : memref<10240x128xf32, #tpu.memory_space<vmem_shared>> -> memref<10240x128xf32, #tpu.memory_space<vmem_shared>>
    tpu.wait_indirect_dma semaphore(%arg17 : memref<!tpu.dma_semaphore, #tpu.memory_space<semaphore_mem>>) src(%arg9 : memref<40x128xf32, #tpu.memory_space<vmem>>) dst(%dma_wait3A_70 : memref<10240x128xf32, #tpu.memory_space<vmem_shared>>)
    %multiple_of3A_71 = arith.constant 160 : i32
    %multiple_of3A_72 = tpu.assume_multiple %multiple_of3A_71, 8 : i32
    %dma_start3A_73 = tpu.memref_slice %arg7[%multiple_of3A_72] : memref<10000xi32, #tpu.memory_space<vmem>> -> memref<40xi32, #tpu.memory_space<vmem>>
    %dma_start3A_74 = arith.constant 0 : i32
    %dma_start3A_75 = arith.constant 0 : i32
    %dma_start3A_76 = tpu.memref_slice %arg2[%dma_start3A_74, %dma_start3A_75] : memref<10000x128xf32, #tpu.memory_space<hbm>> -> memref<10000x128xf32, #tpu.memory_space<hbm>>
    tpu.enqueue_indirect_dma source(%dma_start3A_76 : memref<10000x128xf32, #tpu.memory_space<hbm>>) target(%arg9 : memref<40x128xf32, #tpu.memory_space<vmem>>) offsets(%dma_start3A_73 : memref<40xi32, #tpu.memory_space<vmem>>) semaphore(%arg13 : memref<!tpu.dma_semaphore, #tpu.memory_space<semaphore_mem>>)
    %dma_wait3A_77 = arith.constant 0 : i32
    %dma_wait3A_78 = tpu.memref_slice %arg7[%dma_wait3A_77] : memref<10000xi32, #tpu.memory_space<vmem>> -> memref<40xi32, #tpu.memory_space<vmem>>
    %dma_wait3A_79 = arith.constant 0 : i32
    %dma_wait3A_80 = arith.constant 0 : i32
    %dma_wait3A_81 = tpu.memref_slice %arg2[%dma_wait3A_79, %dma_wait3A_80] : memref<10000x128xf32, #tpu.memory_space<hbm>> -> memref<10000x128xf32, #tpu.memory_space<hbm>>
    tpu.wait_indirect_dma semaphore(%arg16 : memref<!tpu.dma_semaphore, #tpu.memory_space<semaphore_mem>>) src(%dma_wait3A_81 : memref<10000x128xf32, #tpu.memory_space<hbm>>) dst(%arg12 : memref<40x128xf32, #tpu.memory_space<vmem>>)
    %multiple_of3A_82 = arith.constant 120 : i32
    %multiple_of3A_83 = tpu.assume_multiple %multiple_of3A_82, 8 : i32
    %dma_start3A_84 = tpu.memref_slice %arg8[%multiple_of3A_83] : memref<10000xi32, #tpu.memory_space<vmem>> -> memref<40xi32, #tpu.memory_space<vmem>>
    %dma_start3A_85 = arith.constant 0 : i32
    %dma_start3A_86 = arith.constant 0 : i32
    %dma_start3A_87 = tpu.memref_slice %arg22[%dma_start3A_85, %dma_start3A_86] : memref<10240x128xf32, #tpu.memory_space<vmem_shared>> -> memref<10240x128xf32, #tpu.memory_space<vmem_shared>>
    tpu.enqueue_indirect_dma source(%arg12 : memref<40x128xf32, #tpu.memory_space<vmem>>) target(%dma_start3A_87 : memref<10240x128xf32, #tpu.memory_space<vmem_shared>>) offsets(%dma_start3A_84 : memref<40xi32, #tpu.memory_space<vmem>>) semaphore(%arg20 : memref<!tpu.dma_semaphore, #tpu.memory_space<semaphore_mem>>) {add = true}
    %dma_wait3A_88 = arith.constant 0 : i32
    %dma_wait3A_89 = tpu.memref_slice %arg8[%dma_wait3A_88] : memref<10000xi32, #tpu.memory_space<vmem>> -> memref<40xi32, #tpu.memory_space<vmem>>
    %dma_wait3A_90 = arith.constant 0 : i32
    %dma_wait3A_91 = arith.constant 0 : i32
    %dma_wait3A_92 = tpu.memref_slice %arg22[%dma_wait3A_90, %dma_wait3A_91] : memref<10240x128xf32, #tpu.memory_space<vmem_shared>> -> memref<10240x128xf32, #tpu.memory_space<vmem_shared>>
    tpu.wait_indirect_dma semaphore(%arg18 : memref<!tpu.dma_semaphore, #tpu.memory_space<semaphore_mem>>) src(%arg10 : memref<40x128xf32, #tpu.memory_space<vmem>>) dst(%dma_wait3A_92 : memref<10240x128xf32, #tpu.memory_space<vmem_shared>>)
    %multiple_of3A_93 = arith.constant 200 : i32
    %multiple_of3A_94 = tpu.assume_multiple %multiple_of3A_93, 8 : i32
    %dma_start3A_95 = tpu.memref_slice %arg7[%multiple_of3A_94] : memref<10000xi32, #tpu.memory_space<vmem>> -> memref<40xi32, #tpu.memory_space<vmem>>
    %dma_start3A_96 = arith.constant 0 : i32
    %dma_start3A_97 = arith.constant 0 : i32
    %dma_start3A_98 = tpu.memref_slice %arg2[%dma_start3A_96, %dma_start3A_97] : memref<10000x128xf32, #tpu.memory_space<hbm>> -> memref<10000x128xf32, #tpu.memory_space<hbm>>
    tpu.enqueue_indirect_dma source(%dma_start3A_98 : memref<10000x128xf32, #tpu.memory_space<hbm>>) target(%arg10 : memref<40x128xf32, #tpu.memory_space<vmem>>) offsets(%dma_start3A_95 : memref<40xi32, #tpu.memory_space<vmem>>) semaphore(%arg14 : memref<!tpu.dma_semaphore, #tpu.memory_space<semaphore_mem>>)
    %scan3A = arith.constant 0 : i32
    %scan3A_99 = arith.constant 1 : i32
    %scan3A_100 = arith.constant 61 : i32
    %scan3A_101 = arith.addi %scan3A_99, %scan3A_100 : i32
    %scan3A_102 = arith.constant 1 : i32
    scf.for %scan3A_151 = %scan3A_99 to %scan3A_101 step %scan3A_102  : i32 {
      %mul3A_152 = arith.constant 4 : i32
      %mul3A_153 = arith.muli %mul3A_152, %scan3A_151 : i32
      %dma_wait3A_154 = arith.constant 0 : i32
      %dma_wait3A_155 = tpu.memref_slice %arg7[%dma_wait3A_154] : memref<10000xi32, #tpu.memory_space<vmem>> -> memref<40xi32, #tpu.memory_space<vmem>>
      %dma_wait3A_156 = arith.constant 0 : i32
      %dma_wait3A_157 = arith.constant 0 : i32
      %dma_wait3A_158 = tpu.memref_slice %arg2[%dma_wait3A_156, %dma_wait3A_157] : memref<10000x128xf32, #tpu.memory_space<hbm>> -> memref<10000x128xf32, #tpu.memory_space<hbm>>
      tpu.wait_indirect_dma semaphore(%arg13 : memref<!tpu.dma_semaphore, #tpu.memory_space<semaphore_mem>>) src(%dma_wait3A_158 : memref<10000x128xf32, #tpu.memory_space<hbm>>) dst(%arg9 : memref<40x128xf32, #tpu.memory_space<vmem>>)
      %mul3A_159 = arith.constant 40 : i32
      %mul3A_160 = arith.muli %mul3A_153, %mul3A_159 : i32
      %multiple_of3A_161 = tpu.assume_multiple %mul3A_160, 8 : i32
      %dma_start3A_162 = tpu.memref_slice %arg8[%multiple_of3A_161] : memref<10000xi32, #tpu.memory_space<vmem>> -> memref<40xi32, #tpu.memory_space<vmem>>
      %dma_start3A_163 = arith.constant 0 : i32
      %dma_start3A_164 = arith.constant 0 : i32
      %dma_start3A_165 = tpu.memref_slice %arg22[%dma_start3A_163, %dma_start3A_164] : memref<10240x128xf32, #tpu.memory_space<vmem_shared>> -> memref<10240x128xf32, #tpu.memory_space<vmem_shared>>
      tpu.enqueue_indirect_dma source(%arg9 : memref<40x128xf32, #tpu.memory_space<vmem>>) target(%dma_start3A_165 : memref<10240x128xf32, #tpu.memory_space<vmem_shared>>) offsets(%dma_start3A_162 : memref<40xi32, #tpu.memory_space<vmem>>) semaphore(%arg17 : memref<!tpu.dma_semaphore, #tpu.memory_space<semaphore_mem>>) {add = true}
      %dma_wait3A_166 = arith.constant 0 : i32
      %dma_wait3A_167 = tpu.memref_slice %arg8[%dma_wait3A_166] : memref<10000xi32, #tpu.memory_space<vmem>> -> memref<40xi32, #tpu.memory_space<vmem>>
      %dma_wait3A_168 = arith.constant 0 : i32
      %dma_wait3A_169 = arith.constant 0 : i32
      %dma_wait3A_170 = tpu.memref_slice %arg22[%dma_wait3A_168, %dma_wait3A_169] : memref<10240x128xf32, #tpu.memory_space<vmem_shared>> -> memref<10240x128xf32, #tpu.memory_space<vmem_shared>>
      tpu.wait_indirect_dma semaphore(%arg19 : memref<!tpu.dma_semaphore, #tpu.memory_space<semaphore_mem>>) src(%arg11 : memref<40x128xf32, #tpu.memory_space<vmem>>) dst(%dma_wait3A_170 : memref<10240x128xf32, #tpu.memory_space<vmem_shared>>)
      %add3A_171 = arith.constant 2 : i32
      %add3A_172 = arith.addi %mul3A_153, %add3A_171 : i32
      %mul3A_173 = arith.constant 40 : i32
      %mul3A_174 = arith.muli %add3A_172, %mul3A_173 : i32
      %multiple_of3A_175 = tpu.assume_multiple %mul3A_174, 8 : i32
      %dma_start3A_176 = tpu.memref_slice %arg7[%multiple_of3A_175] : memref<10000xi32, #tpu.memory_space<vmem>> -> memref<40xi32, #tpu.memory_space<vmem>>
      %dma_start3A_177 = arith.constant 0 : i32
      %dma_start3A_178 = arith.constant 0 : i32
      %dma_start3A_179 = tpu.memref_slice %arg2[%dma_start3A_177, %dma_start3A_178] : memref<10000x128xf32, #tpu.memory_space<hbm>> -> memref<10000x128xf32, #tpu.memory_space<hbm>>
      tpu.enqueue_indirect_dma source(%dma_start3A_179 : memref<10000x128xf32, #tpu.memory_space<hbm>>) target(%arg11 : memref<40x128xf32, #tpu.memory_space<vmem>>) offsets(%dma_start3A_176 : memref<40xi32, #tpu.memory_space<vmem>>) semaphore(%arg15 : memref<!tpu.dma_semaphore, #tpu.memory_space<semaphore_mem>>)
      %dma_wait3A_180 = arith.constant 0 : i32
      %dma_wait3A_181 = tpu.memref_slice %arg7[%dma_wait3A_180] : memref<10000xi32, #tpu.memory_space<vmem>> -> memref<40xi32, #tpu.memory_space<vmem>>
      %dma_wait3A_182 = arith.constant 0 : i32
      %dma_wait3A_183 = arith.constant 0 : i32
      %dma_wait3A_184 = tpu.memref_slice %arg2[%dma_wait3A_182, %dma_wait3A_183] : memref<10000x128xf32, #tpu.memory_space<hbm>> -> memref<10000x128xf32, #tpu.memory_space<hbm>>
      tpu.wait_indirect_dma semaphore(%arg14 : memref<!tpu.dma_semaphore, #tpu.memory_space<semaphore_mem>>) src(%dma_wait3A_184 : memref<10000x128xf32, #tpu.memory_space<hbm>>) dst(%arg10 : memref<40x128xf32, #tpu.memory_space<vmem>>)
      %add3A_185 = arith.constant 1 : i32
      %add3A_186 = arith.addi %mul3A_153, %add3A_185 : i32
      %mul3A_187 = arith.constant 40 : i32
      %mul3A_188 = arith.muli %add3A_186, %mul3A_187 : i32
      %multiple_of3A_189 = tpu.assume_multiple %mul3A_188, 8 : i32
      %dma_start3A_190 = tpu.memref_slice %arg8[%multiple_of3A_189] : memref<10000xi32, #tpu.memory_space<vmem>> -> memref<40xi32, #tpu.memory_space<vmem>>
      %dma_start3A_191 = arith.constant 0 : i32
      %dma_start3A_192 = arith.constant 0 : i32
      %dma_start3A_193 = tpu.memref_slice %arg22[%dma_start3A_191, %dma_start3A_192] : memref<10240x128xf32, #tpu.memory_space<vmem_shared>> -> memref<10240x128xf32, #tpu.memory_space<vmem_shared>>
      tpu.enqueue_indirect_dma source(%arg10 : memref<40x128xf32, #tpu.memory_space<vmem>>) target(%dma_start3A_193 : memref<10240x128xf32, #tpu.memory_space<vmem_shared>>) offsets(%dma_start3A_190 : memref<40xi32, #tpu.memory_space<vmem>>) semaphore(%arg18 : memref<!tpu.dma_semaphore, #tpu.memory_space<semaphore_mem>>) {add = true}
      %dma_wait3A_194 = arith.constant 0 : i32
      %dma_wait3A_195 = tpu.memref_slice %arg8[%dma_wait3A_194] : memref<10000xi32, #tpu.memory_space<vmem>> -> memref<40xi32, #tpu.memory_space<vmem>>
      %dma_wait3A_196 = arith.constant 0 : i32
      %dma_wait3A_197 = arith.constant 0 : i32
      %dma_wait3A_198 = tpu.memref_slice %arg22[%dma_wait3A_196, %dma_wait3A_197] : memref<10240x128xf32, #tpu.memory_space<vmem_shared>> -> memref<10240x128xf32, #tpu.memory_space<vmem_shared>>
      tpu.wait_indirect_dma semaphore(%arg20 : memref<!tpu.dma_semaphore, #tpu.memory_space<semaphore_mem>>) src(%arg12 : memref<40x128xf32, #tpu.memory_space<vmem>>) dst(%dma_wait3A_198 : memref<10240x128xf32, #tpu.memory_space<vmem_shared>>)
      %add3A_199 = arith.constant 3 : i32
      %add3A_200 = arith.addi %mul3A_153, %add3A_199 : i32
      %mul3A_201 = arith.constant 40 : i32
      %mul3A_202 = arith.muli %add3A_200, %mul3A_201 : i32
      %multiple_of3A_203 = tpu.assume_multiple %mul3A_202, 8 : i32
      %dma_start3A_204 = tpu.memref_slice %arg7[%multiple_of3A_203] : memref<10000xi32, #tpu.memory_space<vmem>> -> memref<40xi32, #tpu.memory_space<vmem>>
      %dma_start3A_205 = arith.constant 0 : i32
      %dma_start3A_206 = arith.constant 0 : i32
      %dma_start3A_207 = tpu.memref_slice %arg2[%dma_start3A_205, %dma_start3A_206] : memref<10000x128xf32, #tpu.memory_space<hbm>> -> memref<10000x128xf32, #tpu.memory_space<hbm>>
      tpu.enqueue_indirect_dma source(%dma_start3A_207 : memref<10000x128xf32, #tpu.memory_space<hbm>>) target(%arg12 : memref<40x128xf32, #tpu.memory_space<vmem>>) offsets(%dma_start3A_204 : memref<40xi32, #tpu.memory_space<vmem>>) semaphore(%arg16 : memref<!tpu.dma_semaphore, #tpu.memory_space<semaphore_mem>>)
      %dma_wait3A_208 = arith.constant 0 : i32
      %dma_wait3A_209 = tpu.memref_slice %arg7[%dma_wait3A_208] : memref<10000xi32, #tpu.memory_space<vmem>> -> memref<40xi32, #tpu.memory_space<vmem>>
      %dma_wait3A_210 = arith.constant 0 : i32
      %dma_wait3A_211 = arith.constant 0 : i32
      %dma_wait3A_212 = tpu.memref_slice %arg2[%dma_wait3A_210, %dma_wait3A_211] : memref<10000x128xf32, #tpu.memory_space<hbm>> -> memref<10000x128xf32, #tpu.memory_space<hbm>>
      tpu.wait_indirect_dma semaphore(%arg15 : memref<!tpu.dma_semaphore, #tpu.memory_space<semaphore_mem>>) src(%dma_wait3A_212 : memref<10000x128xf32, #tpu.memory_space<hbm>>) dst(%arg11 : memref<40x128xf32, #tpu.memory_space<vmem>>)
      %add3A_213 = arith.constant 2 : i32
      %add3A_214 = arith.addi %mul3A_153, %add3A_213 : i32
      %mul3A_215 = arith.constant 40 : i32
      %mul3A_216 = arith.muli %add3A_214, %mul3A_215 : i32
      %multiple_of3A_217 = tpu.assume_multiple %mul3A_216, 8 : i32
      %dma_start3A_218 = tpu.memref_slice %arg8[%multiple_of3A_217] : memref<10000xi32, #tpu.memory_space<vmem>> -> memref<40xi32, #tpu.memory_space<vmem>>
      %dma_start3A_219 = arith.constant 0 : i32
      %dma_start3A_220 = arith.constant 0 : i32
      %dma_start3A_221 = tpu.memref_slice %arg22[%dma_start3A_219, %dma_start3A_220] : memref<10240x128xf32, #tpu.memory_space<vmem_shared>> -> memref<10240x128xf32, #tpu.memory_space<vmem_shared>>
      tpu.enqueue_indirect_dma source(%arg11 : memref<40x128xf32, #tpu.memory_space<vmem>>) target(%dma_start3A_221 : memref<10240x128xf32, #tpu.memory_space<vmem_shared>>) offsets(%dma_start3A_218 : memref<40xi32, #tpu.memory_space<vmem>>) semaphore(%arg19 : memref<!tpu.dma_semaphore, #tpu.memory_space<semaphore_mem>>) {add = true}
      %dma_wait3A_222 = arith.constant 0 : i32
      %dma_wait3A_223 = tpu.memref_slice %arg8[%dma_wait3A_222] : memref<10000xi32, #tpu.memory_space<vmem>> -> memref<40xi32, #tpu.memory_space<vmem>>
      %dma_wait3A_224 = arith.constant 0 : i32
      %dma_wait3A_225 = arith.constant 0 : i32
      %dma_wait3A_226 = tpu.memref_slice %arg22[%dma_wait3A_224, %dma_wait3A_225] : memref<10240x128xf32, #tpu.memory_space<vmem_shared>> -> memref<10240x128xf32, #tpu.memory_space<vmem_shared>>
      tpu.wait_indirect_dma semaphore(%arg17 : memref<!tpu.dma_semaphore, #tpu.memory_space<semaphore_mem>>) src(%arg9 : memref<40x128xf32, #tpu.memory_space<vmem>>) dst(%dma_wait3A_226 : memref<10240x128xf32, #tpu.memory_space<vmem_shared>>)
      %add3A_227 = arith.constant 4 : i32
      %add3A_228 = arith.addi %mul3A_153, %add3A_227 : i32
      %mul3A_229 = arith.constant 40 : i32
      %mul3A_230 = arith.muli %add3A_228, %mul3A_229 : i32
      %multiple_of3A_231 = tpu.assume_multiple %mul3A_230, 8 : i32
      %dma_start3A_232 = tpu.memref_slice %arg7[%multiple_of3A_231] : memref<10000xi32, #tpu.memory_space<vmem>> -> memref<40xi32, #tpu.memory_space<vmem>>
      %dma_start3A_233 = arith.constant 0 : i32
      %dma_start3A_234 = arith.constant 0 : i32
      %dma_start3A_235 = tpu.memref_slice %arg2[%dma_start3A_233, %dma_start3A_234] : memref<10000x128xf32, #tpu.memory_space<hbm>> -> memref<10000x128xf32, #tpu.memory_space<hbm>>
      tpu.enqueue_indirect_dma source(%dma_start3A_235 : memref<10000x128xf32, #tpu.memory_space<hbm>>) target(%arg9 : memref<40x128xf32, #tpu.memory_space<vmem>>) offsets(%dma_start3A_232 : memref<40xi32, #tpu.memory_space<vmem>>) semaphore(%arg13 : memref<!tpu.dma_semaphore, #tpu.memory_space<semaphore_mem>>)
      %dma_wait3A_236 = arith.constant 0 : i32
      %dma_wait3A_237 = tpu.memref_slice %arg7[%dma_wait3A_236] : memref<10000xi32, #tpu.memory_space<vmem>> -> memref<40xi32, #tpu.memory_space<vmem>>
      %dma_wait3A_238 = arith.constant 0 : i32
      %dma_wait3A_239 = arith.constant 0 : i32
      %dma_wait3A_240 = tpu.memref_slice %arg2[%dma_wait3A_238, %dma_wait3A_239] : memref<10000x128xf32, #tpu.memory_space<hbm>> -> memref<10000x128xf32, #tpu.memory_space<hbm>>
      tpu.wait_indirect_dma semaphore(%arg16 : memref<!tpu.dma_semaphore, #tpu.memory_space<semaphore_mem>>) src(%dma_wait3A_240 : memref<10000x128xf32, #tpu.memory_space<hbm>>) dst(%arg12 : memref<40x128xf32, #tpu.memory_space<vmem>>)
      %add3A_241 = arith.constant 3 : i32
      %add3A_242 = arith.addi %mul3A_153, %add3A_241 : i32
      %mul3A_243 = arith.constant 40 : i32
      %mul3A_244 = arith.muli %add3A_242, %mul3A_243 : i32
      %multiple_of3A_245 = tpu.assume_multiple %mul3A_244, 8 : i32
      %dma_start3A_246 = tpu.memref_slice %arg8[%multiple_of3A_245] : memref<10000xi32, #tpu.memory_space<vmem>> -> memref<40xi32, #tpu.memory_space<vmem>>
      %dma_start3A_247 = arith.constant 0 : i32
      %dma_start3A_248 = arith.constant 0 : i32
      %dma_start3A_249 = tpu.memref_slice %arg22[%dma_start3A_247, %dma_start3A_248] : memref<10240x128xf32, #tpu.memory_space<vmem_shared>> -> memref<10240x128xf32, #tpu.memory_space<vmem_shared>>
      tpu.enqueue_indirect_dma source(%arg12 : memref<40x128xf32, #tpu.memory_space<vmem>>) target(%dma_start3A_249 : memref<10240x128xf32, #tpu.memory_space<vmem_shared>>) offsets(%dma_start3A_246 : memref<40xi32, #tpu.memory_space<vmem>>) semaphore(%arg20 : memref<!tpu.dma_semaphore, #tpu.memory_space<semaphore_mem>>) {add = true}
      %dma_wait3A_250 = arith.constant 0 : i32
      %dma_wait3A_251 = tpu.memref_slice %arg8[%dma_wait3A_250] : memref<10000xi32, #tpu.memory_space<vmem>> -> memref<40xi32, #tpu.memory_space<vmem>>
      %dma_wait3A_252 = arith.constant 0 : i32
      %dma_wait3A_253 = arith.constant 0 : i32
      %dma_wait3A_254 = tpu.memref_slice %arg22[%dma_wait3A_252, %dma_wait3A_253] : memref<10240x128xf32, #tpu.memory_space<vmem_shared>> -> memref<10240x128xf32, #tpu.memory_space<vmem_shared>>
      tpu.wait_indirect_dma semaphore(%arg18 : memref<!tpu.dma_semaphore, #tpu.memory_space<semaphore_mem>>) src(%arg10 : memref<40x128xf32, #tpu.memory_space<vmem>>) dst(%dma_wait3A_254 : memref<10240x128xf32, #tpu.memory_space<vmem_shared>>)
      %add3A_255 = arith.constant 5 : i32
      %add3A_256 = arith.addi %mul3A_153, %add3A_255 : i32
      %mul3A_257 = arith.constant 40 : i32
      %mul3A_258 = arith.muli %add3A_256, %mul3A_257 : i32
      %multiple_of3A_259 = tpu.assume_multiple %mul3A_258, 8 : i32
      %dma_start3A_260 = tpu.memref_slice %arg7[%multiple_of3A_259] : memref<10000xi32, #tpu.memory_space<vmem>> -> memref<40xi32, #tpu.memory_space<vmem>>
      %dma_start3A_261 = arith.constant 0 : i32
      %dma_start3A_262 = arith.constant 0 : i32
      %dma_start3A_263 = tpu.memref_slice %arg2[%dma_start3A_261, %dma_start3A_262] : memref<10000x128xf32, #tpu.memory_space<hbm>> -> memref<10000x128xf32, #tpu.memory_space<hbm>>
      tpu.enqueue_indirect_dma source(%dma_start3A_263 : memref<10000x128xf32, #tpu.memory_space<hbm>>) target(%arg10 : memref<40x128xf32, #tpu.memory_space<vmem>>) offsets(%dma_start3A_260 : memref<40xi32, #tpu.memory_space<vmem>>) semaphore(%arg14 : memref<!tpu.dma_semaphore, #tpu.memory_space<semaphore_mem>>)
    }
    %scan3A_103 = arith.constant 61 : i32
    %dma_wait3A_104 = arith.constant 0 : i32
    %dma_wait3A_105 = tpu.memref_slice %arg7[%dma_wait3A_104] : memref<10000xi32, #tpu.memory_space<vmem>> -> memref<40xi32, #tpu.memory_space<vmem>>
    %dma_wait3A_106 = arith.constant 0 : i32
    %dma_wait3A_107 = arith.constant 0 : i32
    %dma_wait3A_108 = tpu.memref_slice %arg2[%dma_wait3A_106, %dma_wait3A_107] : memref<10000x128xf32, #tpu.memory_space<hbm>> -> memref<10000x128xf32, #tpu.memory_space<hbm>>
    tpu.wait_indirect_dma semaphore(%arg13 : memref<!tpu.dma_semaphore, #tpu.memory_space<semaphore_mem>>) src(%dma_wait3A_108 : memref<10000x128xf32, #tpu.memory_space<hbm>>) dst(%arg9 : memref<40x128xf32, #tpu.memory_space<vmem>>)
    %multiple_of3A_109 = arith.constant 9920 : i32
    %multiple_of3A_110 = tpu.assume_multiple %multiple_of3A_109, 8 : i32
    %dma_start3A_111 = tpu.memref_slice %arg8[%multiple_of3A_110] : memref<10000xi32, #tpu.memory_space<vmem>> -> memref<40xi32, #tpu.memory_space<vmem>>
    %dma_start3A_112 = arith.constant 0 : i32
    %dma_start3A_113 = arith.constant 0 : i32
    %dma_start3A_114 = tpu.memref_slice %arg22[%dma_start3A_112, %dma_start3A_113] : memref<10240x128xf32, #tpu.memory_space<vmem_shared>> -> memref<10240x128xf32, #tpu.memory_space<vmem_shared>>
    tpu.enqueue_indirect_dma source(%arg9 : memref<40x128xf32, #tpu.memory_space<vmem>>) target(%dma_start3A_114 : memref<10240x128xf32, #tpu.memory_space<vmem_shared>>) offsets(%dma_start3A_111 : memref<40xi32, #tpu.memory_space<vmem>>) semaphore(%arg17 : memref<!tpu.dma_semaphore, #tpu.memory_space<semaphore_mem>>) {add = true}
    %dma_wait3A_115 = arith.constant 0 : i32
    %dma_wait3A_116 = tpu.memref_slice %arg8[%dma_wait3A_115] : memref<10000xi32, #tpu.memory_space<vmem>> -> memref<40xi32, #tpu.memory_space<vmem>>
    %dma_wait3A_117 = arith.constant 0 : i32
    %dma_wait3A_118 = arith.constant 0 : i32
    %dma_wait3A_119 = tpu.memref_slice %arg22[%dma_wait3A_117, %dma_wait3A_118] : memref<10240x128xf32, #tpu.memory_space<vmem_shared>> -> memref<10240x128xf32, #tpu.memory_space<vmem_shared>>
    tpu.wait_indirect_dma semaphore(%arg19 : memref<!tpu.dma_semaphore, #tpu.memory_space<semaphore_mem>>) src(%arg11 : memref<40x128xf32, #tpu.memory_space<vmem>>) dst(%dma_wait3A_119 : memref<10240x128xf32, #tpu.memory_space<vmem_shared>>)
    %dma_wait3A_120 = arith.constant 0 : i32
    %dma_wait3A_121 = tpu.memref_slice %arg7[%dma_wait3A_120] : memref<10000xi32, #tpu.memory_space<vmem>> -> memref<40xi32, #tpu.memory_space<vmem>>
    %dma_wait3A_122 = arith.constant 0 : i32
    %dma_wait3A_123 = arith.constant 0 : i32
    %dma_wait3A_124 = tpu.memref_slice %arg2[%dma_wait3A_122, %dma_wait3A_123] : memref<10000x128xf32, #tpu.memory_space<hbm>> -> memref<10000x128xf32, #tpu.memory_space<hbm>>
    tpu.wait_indirect_dma semaphore(%arg14 : memref<!tpu.dma_semaphore, #tpu.memory_space<semaphore_mem>>) src(%dma_wait3A_124 : memref<10000x128xf32, #tpu.memory_space<hbm>>) dst(%arg10 : memref<40x128xf32, #tpu.memory_space<vmem>>)
    %multiple_of3A_125 = arith.constant 9960 : i32
    %multiple_of3A_126 = tpu.assume_multiple %multiple_of3A_125, 8 : i32
    %dma_start3A_127 = tpu.memref_slice %arg8[%multiple_of3A_126] : memref<10000xi32, #tpu.memory_space<vmem>> -> memref<40xi32, #tpu.memory_space<vmem>>
    %dma_start3A_128 = arith.constant 0 : i32
    %dma_start3A_129 = arith.constant 0 : i32
    %dma_start3A_130 = tpu.memref_slice %arg22[%dma_start3A_128, %dma_start3A_129] : memref<10240x128xf32, #tpu.memory_space<vmem_shared>> -> memref<10240x128xf32, #tpu.memory_space<vmem_shared>>
    tpu.enqueue_indirect_dma source(%arg10 : memref<40x128xf32, #tpu.memory_space<vmem>>) target(%dma_start3A_130 : memref<10240x128xf32, #tpu.memory_space<vmem_shared>>) offsets(%dma_start3A_127 : memref<40xi32, #tpu.memory_space<vmem>>) semaphore(%arg18 : memref<!tpu.dma_semaphore, #tpu.memory_space<semaphore_mem>>) {add = true}
    %dma_wait3A_131 = arith.constant 0 : i32
    %dma_wait3A_132 = tpu.memref_slice %arg8[%dma_wait3A_131] : memref<10000xi32, #tpu.memory_space<vmem>> -> memref<40xi32, #tpu.memory_space<vmem>>
    %dma_wait3A_133 = arith.constant 0 : i32
    %dma_wait3A_134 = arith.constant 0 : i32
    %dma_wait3A_135 = tpu.memref_slice %arg22[%dma_wait3A_133, %dma_wait3A_134] : memref<10240x128xf32, #tpu.memory_space<vmem_shared>> -> memref<10240x128xf32, #tpu.memory_space<vmem_shared>>
    tpu.wait_indirect_dma semaphore(%arg20 : memref<!tpu.dma_semaphore, #tpu.memory_space<semaphore_mem>>) src(%arg12 : memref<40x128xf32, #tpu.memory_space<vmem>>) dst(%dma_wait3A_135 : memref<10240x128xf32, #tpu.memory_space<vmem_shared>>)
    %dma_wait3A_136 = arith.constant 0 : i32
    %dma_wait3A_137 = tpu.memref_slice %arg8[%dma_wait3A_136] : memref<10000xi32, #tpu.memory_space<vmem>> -> memref<40xi32, #tpu.memory_space<vmem>>
    %dma_wait3A_138 = arith.constant 0 : i32
    %dma_wait3A_139 = arith.constant 0 : i32
    %dma_wait3A_140 = tpu.memref_slice %arg22[%dma_wait3A_138, %dma_wait3A_139] : memref<10240x128xf32, #tpu.memory_space<vmem_shared>> -> memref<10240x128xf32, #tpu.memory_space<vmem_shared>>
    tpu.wait_indirect_dma semaphore(%arg17 : memref<!tpu.dma_semaphore, #tpu.memory_space<semaphore_mem>>) src(%arg9 : memref<40x128xf32, #tpu.memory_space<vmem>>) dst(%dma_wait3A_140 : memref<10240x128xf32, #tpu.memory_space<vmem_shared>>)
    %dma_wait3A_141 = arith.constant 0 : i32
    %dma_wait3A_142 = tpu.memref_slice %arg8[%dma_wait3A_141] : memref<10000xi32, #tpu.memory_space<vmem>> -> memref<40xi32, #tpu.memory_space<vmem>>
    %dma_wait3A_143 = arith.constant 0 : i32
    %dma_wait3A_144 = arith.constant 0 : i32
    %dma_wait3A_145 = tpu.memref_slice %arg22[%dma_wait3A_143, %dma_wait3A_144] : memref<10240x128xf32, #tpu.memory_space<vmem_shared>> -> memref<10240x128xf32, #tpu.memory_space<vmem_shared>>
    tpu.wait_indirect_dma semaphore(%arg18 : memref<!tpu.dma_semaphore, #tpu.memory_space<semaphore_mem>>) src(%arg10 : memref<40x128xf32, #tpu.memory_space<vmem>>) dst(%dma_wait3A_145 : memref<10240x128xf32, #tpu.memory_space<vmem_shared>>)
    %barrier3A_146 = arith.constant 0 : index
    tpu.barrier barrier_id(%barrier3A_146)
    %mul3A_147 = arith.constant 640 : i32
    %mul3A_148 = arith.muli %arg1, %mul3A_147 : i32
    %mul3A_149 = arith.constant 640 : i32
    %mul3A_150 = arith.muli %arg1, %mul3A_149 : i32
    "tpu.region"() ({
      %run_scoped3A = tpu.sem_alloc : memref<!tpu.dma_semaphore, #tpu.memory_space<semaphore_mem>>
      %dma_start3A_151 = arith.constant 0 : i32
      %dma_start3A_152 = tpu.memref_slice %arg6[%arg0, %mul3A_150, %dma_start3A_151] : memref<2x10240x128xf32, #tpu.memory_space<hbm>> -> memref<1x640x128xf32, #tpu.memory_space<hbm>>
      %dma_start3A_153 = tpu.memref_squeeze %dma_start3A_152 : memref<1x640x128xf32, #tpu.memory_space<hbm>> -> memref<640x128xf32, #tpu.memory_space<hbm>>
      %dma_start3A_154 = arith.constant 0 : i32
      %dma_start3A_155 = tpu.memref_slice %arg22[%mul3A_148, %dma_start3A_154] : memref<10240x128xf32, #tpu.memory_space<vmem_shared>> -> memref<640x128xf32, #tpu.memory_space<vmem_shared>>
      tpu.enqueue_dma source(%dma_start3A_155 : memref<640x128xf32, #tpu.memory_space<vmem_shared>>) target(%dma_start3A_153 : memref<640x128xf32, #tpu.memory_space<hbm>>) target_semaphore(%run_scoped3A : memref<!tpu.dma_semaphore, #tpu.memory_space<semaphore_mem>>)
      %dma_wait3A_156 = arith.constant 0 : i32
      %dma_wait3A_157 = tpu.memref_slice %arg6[%arg0, %mul3A_150, %dma_wait3A_156] : memref<2x10240x128xf32, #tpu.memory_space<hbm>> -> memref<1x640x128xf32, #tpu.memory_space<hbm>>
      %dma_wait3A_158 = tpu.memref_squeeze %dma_wait3A_157 : memref<1x640x128xf32, #tpu.memory_space<hbm>> -> memref<640x128xf32, #tpu.memory_space<hbm>>
      %dma_wait3A_159 = arith.constant 0 : i32
      %dma_wait3A_160 = tpu.memref_slice %arg22[%mul3A_148, %dma_wait3A_159] : memref<10240x128xf32, #tpu.memory_space<vmem_shared>> -> memref<640x128xf32, #tpu.memory_space<vmem_shared>>
      tpu.wait_dma2 semaphore(%run_scoped3A : memref<!tpu.dma_semaphore, #tpu.memory_space<semaphore_mem>>) src(%dma_wait3A_160 : memref<640x128xf32, #tpu.memory_space<vmem_shared>>) dst(%dma_wait3A_158 : memref<640x128xf32, #tpu.memory_space<hbm>>)
      tpu.yield
    }) : () -> ()
    return
  }
}

#map = affine_map<(d0, d1) -> (0, 0)>
#map1 = affine_map<(d0, d1) -> (0)>
#map2 = affine_map<(d0, d1) -> (0, 0, 0)>
module attributes {stable_mosaic.version = 14 : i64} {
  func.func @body(%arg0: i32, %arg1: i32, %arg2: memref<10000x128xf32, #tpu.memory_space<hbm>>, %arg3: memref<320000xi32, #tpu.memory_space<hbm>>, %arg4: memref<320000xi32, #tpu.memory_space<hbm>>, %arg5: memref<640x128xf32, #tpu.memory_space<hbm>>, %arg6: memref<10000xf32, #tpu.memory_space<hbm>>, %arg7: memref<40xf32, #tpu.memory_space<hbm>>, %arg8: memref<2x10240x128xf32, #tpu.memory_space<hbm>>, %arg9: memref<2x10000xf32, #tpu.memory_space<hbm>>, %arg10: memref<10000xi32, #tpu.memory_space<vmem>>, %arg11: memref<10000xi32, #tpu.memory_space<vmem>>, %arg12: memref<40x128xf32, #tpu.memory_space<vmem>>, %arg13: memref<40x128xf32, #tpu.memory_space<vmem>>, %arg14: memref<40x128xf32, #tpu.memory_space<vmem>>, %arg15: memref<40x128xf32, #tpu.memory_space<vmem>>, %arg16: memref<!tpu.dma_semaphore, #tpu.memory_space<semaphore_mem>>, %arg17: memref<!tpu.dma_semaphore, #tpu.memory_space<semaphore_mem>>, %arg18: memref<!tpu.dma_semaphore, #tpu.memory_space<semaphore_mem>>, %arg19: memref<!tpu.dma_semaphore, #tpu.memory_space<semaphore_mem>>, %arg20: memref<!tpu.dma_semaphore, #tpu.memory_space<semaphore_mem>>, %arg21: memref<!tpu.dma_semaphore, #tpu.memory_space<semaphore_mem>>, %arg22: memref<!tpu.dma_semaphore, #tpu.memory_space<semaphore_mem>>, %arg23: memref<!tpu.dma_semaphore, #tpu.memory_space<semaphore_mem>>, %arg24: memref<!tpu.dma_semaphore, #tpu.memory_space<semaphore_mem>>, %arg25: memref<!tpu.dma_semaphore, #tpu.memory_space<semaphore_mem>>, %arg26: memref<!tpu.dma_semaphore, #tpu.memory_space<semaphore_mem>>, %arg27: memref<!tpu.dma_semaphore, #tpu.memory_space<semaphore_mem>>, %arg28: memref<!tpu.dma_semaphore, #tpu.memory_space<semaphore_mem>>, %arg29: memref<10240x128xf32, #tpu.memory_space<vmem_shared>>, %arg30: memref<40xf32, #tpu.memory_space<vmem>>, %arg31: memref<10000xf32, #tpu.memory_space<vmem_shared>>) attributes {dimension_semantics = [#tpu.dimension_semantics<core_parallel>, #tpu.dimension_semantics<subcore_parallel>], iteration_bounds = array<i64: 2, 16>, scalar_prefetch = 0 : i64, scratch_operands = 22 : i64, tpu.core_type = #tpu.core_type<sc_vector_subcore>, window_params = [{transform_indices = #map}, {transform_indices = #map1}, {transform_indices = #map1}, {transform_indices = #map}, {transform_indices = #map1}, {transform_indices = #map1}, {transform_indices = #map2}, {transform_indices = #map}]} {
    %mul3A = arith.constant 16 : i32
    %mul3A_0 = arith.muli %arg0, %mul3A : i32
    %add3A = arith.addi %mul3A_0, %arg1 : i32
    %mul3A_1 = arith.constant 640 : i32
    %mul3A_2 = arith.muli %arg1, %mul3A_1 : i32
    %dma_start3A = arith.constant 0 : i32
    %dma_start3A_3 = tpu.memref_slice %arg29[%mul3A_2, %dma_start3A] : memref<10240x128xf32, #tpu.memory_space<vmem_shared>> -> memref<640x128xf32, #tpu.memory_space<vmem_shared>>
    tpu.enqueue_dma source(%arg5 : memref<640x128xf32, #tpu.memory_space<hbm>>) target(%dma_start3A_3 : memref<640x128xf32, #tpu.memory_space<vmem_shared>>) target_semaphore(%arg28 : memref<!tpu.dma_semaphore, #tpu.memory_space<semaphore_mem>>)
    %eq3A = arith.constant 0 : i32
    %eq3A_4 = arith.cmpi eq, %arg1, %eq3A : i32
    %convert_element_type3A = arith.extui %eq3A_4 : i1 to i32
    %cond3A = arith.constant 0 : i32
    %cond3A_5 = arith.cmpi ne, %convert_element_type3A, %cond3A : i32
    scf.if %cond3A_5 {
      "tpu.region"() ({
        %run_scoped3A = tpu.sem_alloc : memref<!tpu.dma_semaphore, #tpu.memory_space<semaphore_mem>>
        tpu.enqueue_dma source(%arg6 : memref<10000xf32, #tpu.memory_space<hbm>>) target(%arg31 : memref<10000xf32, #tpu.memory_space<vmem_shared>>) target_semaphore(%run_scoped3A : memref<!tpu.dma_semaphore, #tpu.memory_space<semaphore_mem>>)
        tpu.wait_dma2 semaphore(%run_scoped3A : memref<!tpu.dma_semaphore, #tpu.memory_space<semaphore_mem>>) src(%arg6 : memref<10000xf32, #tpu.memory_space<hbm>>) dst(%arg31 : memref<10000xf32, #tpu.memory_space<vmem_shared>>)
        tpu.yield
      }) : () -> ()
    } else {
    }
    "tpu.region"() ({
      %run_scoped3A = tpu.sem_alloc : memref<!tpu.dma_semaphore, #tpu.memory_space<semaphore_mem>>
      tpu.enqueue_dma source(%arg7 : memref<40xf32, #tpu.memory_space<hbm>>) target(%arg30 : memref<40xf32, #tpu.memory_space<vmem>>) target_semaphore(%run_scoped3A : memref<!tpu.dma_semaphore, #tpu.memory_space<semaphore_mem>>)
      tpu.wait_dma2 semaphore(%run_scoped3A : memref<!tpu.dma_semaphore, #tpu.memory_space<semaphore_mem>>) src(%arg7 : memref<40xf32, #tpu.memory_space<hbm>>) dst(%arg30 : memref<40xf32, #tpu.memory_space<vmem>>)
      tpu.yield
    }) : () -> ()
    %mul3A_6 = arith.constant 10000 : i32
    %mul3A_7 = arith.muli %add3A, %mul3A_6 : i32
    "tpu.region"() ({
      %run_scoped3A = tpu.sem_alloc : memref<!tpu.dma_semaphore, #tpu.memory_space<semaphore_mem>>
      %dma_start3A_200 = tpu.memref_slice %arg3[%mul3A_7] : memref<320000xi32, #tpu.memory_space<hbm>> -> memref<10000xi32, #tpu.memory_space<hbm>>
      %dma_start3A_201 = tpu.memref_slice %arg3[%mul3A_7] : memref<320000xi32, #tpu.memory_space<hbm>> -> memref<10000xi32, #tpu.memory_space<hbm>>
      tpu.enqueue_dma source(%dma_start3A_201 : memref<10000xi32, #tpu.memory_space<hbm>>) target(%arg10 : memref<10000xi32, #tpu.memory_space<vmem>>) target_semaphore(%run_scoped3A : memref<!tpu.dma_semaphore, #tpu.memory_space<semaphore_mem>>)
      %dma_wait3A_202 = tpu.memref_slice %arg3[%mul3A_7] : memref<320000xi32, #tpu.memory_space<hbm>> -> memref<10000xi32, #tpu.memory_space<hbm>>
      %dma_wait3A_203 = tpu.memref_slice %arg3[%mul3A_7] : memref<320000xi32, #tpu.memory_space<hbm>> -> memref<10000xi32, #tpu.memory_space<hbm>>
      tpu.wait_dma2 semaphore(%run_scoped3A : memref<!tpu.dma_semaphore, #tpu.memory_space<semaphore_mem>>) src(%dma_wait3A_203 : memref<10000xi32, #tpu.memory_space<hbm>>) dst(%arg10 : memref<10000xi32, #tpu.memory_space<vmem>>)
      tpu.yield
    }) : () -> ()
    %mul3A_8 = arith.constant 10000 : i32
    %mul3A_9 = arith.muli %add3A, %mul3A_8 : i32
    "tpu.region"() ({
      %run_scoped3A = tpu.sem_alloc : memref<!tpu.dma_semaphore, #tpu.memory_space<semaphore_mem>>
      %dma_start3A_200 = tpu.memref_slice %arg4[%mul3A_9] : memref<320000xi32, #tpu.memory_space<hbm>> -> memref<10000xi32, #tpu.memory_space<hbm>>
      %dma_start3A_201 = tpu.memref_slice %arg4[%mul3A_9] : memref<320000xi32, #tpu.memory_space<hbm>> -> memref<10000xi32, #tpu.memory_space<hbm>>
      tpu.enqueue_dma source(%dma_start3A_201 : memref<10000xi32, #tpu.memory_space<hbm>>) target(%arg11 : memref<10000xi32, #tpu.memory_space<vmem>>) target_semaphore(%run_scoped3A : memref<!tpu.dma_semaphore, #tpu.memory_space<semaphore_mem>>)
      %dma_wait3A_202 = tpu.memref_slice %arg4[%mul3A_9] : memref<320000xi32, #tpu.memory_space<hbm>> -> memref<10000xi32, #tpu.memory_space<hbm>>
      %dma_wait3A_203 = tpu.memref_slice %arg4[%mul3A_9] : memref<320000xi32, #tpu.memory_space<hbm>> -> memref<10000xi32, #tpu.memory_space<hbm>>
      tpu.wait_dma2 semaphore(%run_scoped3A : memref<!tpu.dma_semaphore, #tpu.memory_space<semaphore_mem>>) src(%dma_wait3A_203 : memref<10000xi32, #tpu.memory_space<hbm>>) dst(%arg11 : memref<10000xi32, #tpu.memory_space<vmem>>)
      tpu.yield
    }) : () -> ()
    %multiple_of3A = arith.constant 0 : i32
    %multiple_of3A_10 = tpu.assume_multiple %multiple_of3A, 8 : i32
    %dma_start3A_11 = tpu.memref_slice %arg10[%multiple_of3A_10] : memref<10000xi32, #tpu.memory_space<vmem>> -> memref<40xi32, #tpu.memory_space<vmem>>
    %dma_start3A_12 = arith.constant 0 : i32
    %dma_start3A_13 = arith.constant 0 : i32
    %dma_start3A_14 = tpu.memref_slice %arg2[%dma_start3A_12, %dma_start3A_13] : memref<10000x128xf32, #tpu.memory_space<hbm>> -> memref<10000x128xf32, #tpu.memory_space<hbm>>
    tpu.enqueue_indirect_dma source(%dma_start3A_14 : memref<10000x128xf32, #tpu.memory_space<hbm>>) target(%arg12 : memref<40x128xf32, #tpu.memory_space<vmem>>) offsets(%dma_start3A_11 : memref<40xi32, #tpu.memory_space<vmem>>) semaphore(%arg16 : memref<!tpu.dma_semaphore, #tpu.memory_space<semaphore_mem>>)
    %multiple_of3A_15 = arith.constant 40 : i32
    %multiple_of3A_16 = tpu.assume_multiple %multiple_of3A_15, 8 : i32
    %dma_start3A_17 = tpu.memref_slice %arg10[%multiple_of3A_16] : memref<10000xi32, #tpu.memory_space<vmem>> -> memref<40xi32, #tpu.memory_space<vmem>>
    %dma_start3A_18 = arith.constant 0 : i32
    %dma_start3A_19 = arith.constant 0 : i32
    %dma_start3A_20 = tpu.memref_slice %arg2[%dma_start3A_18, %dma_start3A_19] : memref<10000x128xf32, #tpu.memory_space<hbm>> -> memref<10000x128xf32, #tpu.memory_space<hbm>>
    tpu.enqueue_indirect_dma source(%dma_start3A_20 : memref<10000x128xf32, #tpu.memory_space<hbm>>) target(%arg13 : memref<40x128xf32, #tpu.memory_space<vmem>>) offsets(%dma_start3A_17 : memref<40xi32, #tpu.memory_space<vmem>>) semaphore(%arg17 : memref<!tpu.dma_semaphore, #tpu.memory_space<semaphore_mem>>)
    %dma_wait3A = arith.constant 0 : i32
    %dma_wait3A_21 = arith.constant 0 : i32
    %dma_wait3A_22 = tpu.memref_slice %arg29[%dma_wait3A, %dma_wait3A_21] : memref<10240x128xf32, #tpu.memory_space<vmem_shared>> -> memref<640x128xf32, #tpu.memory_space<vmem_shared>>
    tpu.wait_dma2 semaphore(%arg28 : memref<!tpu.dma_semaphore, #tpu.memory_space<semaphore_mem>>) src(%arg5 : memref<640x128xf32, #tpu.memory_space<hbm>>) dst(%dma_wait3A_22 : memref<640x128xf32, #tpu.memory_space<vmem_shared>>)
    %barrier3A = arith.constant 0 : index
    tpu.barrier barrier_id(%barrier3A)
    %dma_wait3A_23 = arith.constant 0 : i32
    %dma_wait3A_24 = tpu.memref_slice %arg10[%dma_wait3A_23] : memref<10000xi32, #tpu.memory_space<vmem>> -> memref<40xi32, #tpu.memory_space<vmem>>
    %dma_wait3A_25 = arith.constant 0 : i32
    %dma_wait3A_26 = arith.constant 0 : i32
    %dma_wait3A_27 = tpu.memref_slice %arg2[%dma_wait3A_25, %dma_wait3A_26] : memref<10000x128xf32, #tpu.memory_space<hbm>> -> memref<10000x128xf32, #tpu.memory_space<hbm>>
    tpu.wait_indirect_dma semaphore(%arg16 : memref<!tpu.dma_semaphore, #tpu.memory_space<semaphore_mem>>) src(%dma_wait3A_27 : memref<10000x128xf32, #tpu.memory_space<hbm>>) dst(%arg12 : memref<40x128xf32, #tpu.memory_space<vmem>>)
    %multiple_of3A_28 = arith.constant 0 : i32
    %multiple_of3A_29 = tpu.assume_multiple %multiple_of3A_28, 8 : i32
    %dma_start3A_30 = tpu.memref_slice %arg11[%multiple_of3A_29] : memref<10000xi32, #tpu.memory_space<vmem>> -> memref<40xi32, #tpu.memory_space<vmem>>
    %dma_start3A_31 = arith.constant 0 : i32
    %dma_start3A_32 = arith.constant 0 : i32
    %dma_start3A_33 = tpu.memref_slice %arg29[%dma_start3A_31, %dma_start3A_32] : memref<10240x128xf32, #tpu.memory_space<vmem_shared>> -> memref<10240x128xf32, #tpu.memory_space<vmem_shared>>
    tpu.enqueue_indirect_dma source(%arg12 : memref<40x128xf32, #tpu.memory_space<vmem>>) target(%dma_start3A_33 : memref<10240x128xf32, #tpu.memory_space<vmem_shared>>) offsets(%dma_start3A_30 : memref<40xi32, #tpu.memory_space<vmem>>) semaphore(%arg20 : memref<!tpu.dma_semaphore, #tpu.memory_space<semaphore_mem>>) {add = true}
    %dma_start3A_34 = tpu.memref_slice %arg11[%multiple_of3A_29] : memref<10000xi32, #tpu.memory_space<vmem>> -> memref<40xi32, #tpu.memory_space<vmem>>
    %dma_start3A_35 = arith.constant 0 : i32
    %dma_start3A_36 = tpu.memref_slice %arg31[%dma_start3A_35] : memref<10000xf32, #tpu.memory_space<vmem_shared>> -> memref<10000xf32, #tpu.memory_space<vmem_shared>>
    tpu.enqueue_indirect_dma source(%arg30 : memref<40xf32, #tpu.memory_space<vmem>>) target(%dma_start3A_36 : memref<10000xf32, #tpu.memory_space<vmem_shared>>) offsets(%dma_start3A_34 : memref<40xi32, #tpu.memory_space<vmem>>) semaphore(%arg24 : memref<!tpu.dma_semaphore, #tpu.memory_space<semaphore_mem>>) {add = true}
    %multiple_of3A_37 = arith.constant 80 : i32
    %multiple_of3A_38 = tpu.assume_multiple %multiple_of3A_37, 8 : i32
    %dma_start3A_39 = tpu.memref_slice %arg10[%multiple_of3A_38] : memref<10000xi32, #tpu.memory_space<vmem>> -> memref<40xi32, #tpu.memory_space<vmem>>
    %dma_start3A_40 = arith.constant 0 : i32
    %dma_start3A_41 = arith.constant 0 : i32
    %dma_start3A_42 = tpu.memref_slice %arg2[%dma_start3A_40, %dma_start3A_41] : memref<10000x128xf32, #tpu.memory_space<hbm>> -> memref<10000x128xf32, #tpu.memory_space<hbm>>
    tpu.enqueue_indirect_dma source(%dma_start3A_42 : memref<10000x128xf32, #tpu.memory_space<hbm>>) target(%arg14 : memref<40x128xf32, #tpu.memory_space<vmem>>) offsets(%dma_start3A_39 : memref<40xi32, #tpu.memory_space<vmem>>) semaphore(%arg18 : memref<!tpu.dma_semaphore, #tpu.memory_space<semaphore_mem>>)
    %dma_wait3A_43 = arith.constant 0 : i32
    %dma_wait3A_44 = tpu.memref_slice %arg10[%dma_wait3A_43] : memref<10000xi32, #tpu.memory_space<vmem>> -> memref<40xi32, #tpu.memory_space<vmem>>
    %dma_wait3A_45 = arith.constant 0 : i32
    %dma_wait3A_46 = arith.constant 0 : i32
    %dma_wait3A_47 = tpu.memref_slice %arg2[%dma_wait3A_45, %dma_wait3A_46] : memref<10000x128xf32, #tpu.memory_space<hbm>> -> memref<10000x128xf32, #tpu.memory_space<hbm>>
    tpu.wait_indirect_dma semaphore(%arg17 : memref<!tpu.dma_semaphore, #tpu.memory_space<semaphore_mem>>) src(%dma_wait3A_47 : memref<10000x128xf32, #tpu.memory_space<hbm>>) dst(%arg13 : memref<40x128xf32, #tpu.memory_space<vmem>>)
    %multiple_of3A_48 = arith.constant 40 : i32
    %multiple_of3A_49 = tpu.assume_multiple %multiple_of3A_48, 8 : i32
    %dma_start3A_50 = tpu.memref_slice %arg11[%multiple_of3A_49] : memref<10000xi32, #tpu.memory_space<vmem>> -> memref<40xi32, #tpu.memory_space<vmem>>
    %dma_start3A_51 = arith.constant 0 : i32
    %dma_start3A_52 = arith.constant 0 : i32
    %dma_start3A_53 = tpu.memref_slice %arg29[%dma_start3A_51, %dma_start3A_52] : memref<10240x128xf32, #tpu.memory_space<vmem_shared>> -> memref<10240x128xf32, #tpu.memory_space<vmem_shared>>
    tpu.enqueue_indirect_dma source(%arg13 : memref<40x128xf32, #tpu.memory_space<vmem>>) target(%dma_start3A_53 : memref<10240x128xf32, #tpu.memory_space<vmem_shared>>) offsets(%dma_start3A_50 : memref<40xi32, #tpu.memory_space<vmem>>) semaphore(%arg21 : memref<!tpu.dma_semaphore, #tpu.memory_space<semaphore_mem>>) {add = true}
    %dma_start3A_54 = tpu.memref_slice %arg11[%multiple_of3A_49] : memref<10000xi32, #tpu.memory_space<vmem>> -> memref<40xi32, #tpu.memory_space<vmem>>
    %dma_start3A_55 = arith.constant 0 : i32
    %dma_start3A_56 = tpu.memref_slice %arg31[%dma_start3A_55] : memref<10000xf32, #tpu.memory_space<vmem_shared>> -> memref<10000xf32, #tpu.memory_space<vmem_shared>>
    tpu.enqueue_indirect_dma source(%arg30 : memref<40xf32, #tpu.memory_space<vmem>>) target(%dma_start3A_56 : memref<10000xf32, #tpu.memory_space<vmem_shared>>) offsets(%dma_start3A_54 : memref<40xi32, #tpu.memory_space<vmem>>) semaphore(%arg25 : memref<!tpu.dma_semaphore, #tpu.memory_space<semaphore_mem>>) {add = true}
    %multiple_of3A_57 = arith.constant 120 : i32
    %multiple_of3A_58 = tpu.assume_multiple %multiple_of3A_57, 8 : i32
    %dma_start3A_59 = tpu.memref_slice %arg10[%multiple_of3A_58] : memref<10000xi32, #tpu.memory_space<vmem>> -> memref<40xi32, #tpu.memory_space<vmem>>
    %dma_start3A_60 = arith.constant 0 : i32
    %dma_start3A_61 = arith.constant 0 : i32
    %dma_start3A_62 = tpu.memref_slice %arg2[%dma_start3A_60, %dma_start3A_61] : memref<10000x128xf32, #tpu.memory_space<hbm>> -> memref<10000x128xf32, #tpu.memory_space<hbm>>
    tpu.enqueue_indirect_dma source(%dma_start3A_62 : memref<10000x128xf32, #tpu.memory_space<hbm>>) target(%arg15 : memref<40x128xf32, #tpu.memory_space<vmem>>) offsets(%dma_start3A_59 : memref<40xi32, #tpu.memory_space<vmem>>) semaphore(%arg19 : memref<!tpu.dma_semaphore, #tpu.memory_space<semaphore_mem>>)
    %dma_wait3A_63 = arith.constant 0 : i32
    %dma_wait3A_64 = tpu.memref_slice %arg10[%dma_wait3A_63] : memref<10000xi32, #tpu.memory_space<vmem>> -> memref<40xi32, #tpu.memory_space<vmem>>
    %dma_wait3A_65 = arith.constant 0 : i32
    %dma_wait3A_66 = arith.constant 0 : i32
    %dma_wait3A_67 = tpu.memref_slice %arg2[%dma_wait3A_65, %dma_wait3A_66] : memref<10000x128xf32, #tpu.memory_space<hbm>> -> memref<10000x128xf32, #tpu.memory_space<hbm>>
    tpu.wait_indirect_dma semaphore(%arg18 : memref<!tpu.dma_semaphore, #tpu.memory_space<semaphore_mem>>) src(%dma_wait3A_67 : memref<10000x128xf32, #tpu.memory_space<hbm>>) dst(%arg14 : memref<40x128xf32, #tpu.memory_space<vmem>>)
    %multiple_of3A_68 = arith.constant 80 : i32
    %multiple_of3A_69 = tpu.assume_multiple %multiple_of3A_68, 8 : i32
    %dma_start3A_70 = tpu.memref_slice %arg11[%multiple_of3A_69] : memref<10000xi32, #tpu.memory_space<vmem>> -> memref<40xi32, #tpu.memory_space<vmem>>
    %dma_start3A_71 = arith.constant 0 : i32
    %dma_start3A_72 = arith.constant 0 : i32
    %dma_start3A_73 = tpu.memref_slice %arg29[%dma_start3A_71, %dma_start3A_72] : memref<10240x128xf32, #tpu.memory_space<vmem_shared>> -> memref<10240x128xf32, #tpu.memory_space<vmem_shared>>
    tpu.enqueue_indirect_dma source(%arg14 : memref<40x128xf32, #tpu.memory_space<vmem>>) target(%dma_start3A_73 : memref<10240x128xf32, #tpu.memory_space<vmem_shared>>) offsets(%dma_start3A_70 : memref<40xi32, #tpu.memory_space<vmem>>) semaphore(%arg22 : memref<!tpu.dma_semaphore, #tpu.memory_space<semaphore_mem>>) {add = true}
    %dma_start3A_74 = tpu.memref_slice %arg11[%multiple_of3A_69] : memref<10000xi32, #tpu.memory_space<vmem>> -> memref<40xi32, #tpu.memory_space<vmem>>
    %dma_start3A_75 = arith.constant 0 : i32
    %dma_start3A_76 = tpu.memref_slice %arg31[%dma_start3A_75] : memref<10000xf32, #tpu.memory_space<vmem_shared>> -> memref<10000xf32, #tpu.memory_space<vmem_shared>>
    tpu.enqueue_indirect_dma source(%arg30 : memref<40xf32, #tpu.memory_space<vmem>>) target(%dma_start3A_76 : memref<10000xf32, #tpu.memory_space<vmem_shared>>) offsets(%dma_start3A_74 : memref<40xi32, #tpu.memory_space<vmem>>) semaphore(%arg26 : memref<!tpu.dma_semaphore, #tpu.memory_space<semaphore_mem>>) {add = true}
    %dma_wait3A_77 = arith.constant 0 : i32
    %dma_wait3A_78 = tpu.memref_slice %arg11[%dma_wait3A_77] : memref<10000xi32, #tpu.memory_space<vmem>> -> memref<40xi32, #tpu.memory_space<vmem>>
    %dma_wait3A_79 = arith.constant 0 : i32
    %dma_wait3A_80 = arith.constant 0 : i32
    %dma_wait3A_81 = tpu.memref_slice %arg29[%dma_wait3A_79, %dma_wait3A_80] : memref<10240x128xf32, #tpu.memory_space<vmem_shared>> -> memref<10240x128xf32, #tpu.memory_space<vmem_shared>>
    tpu.wait_indirect_dma semaphore(%arg20 : memref<!tpu.dma_semaphore, #tpu.memory_space<semaphore_mem>>) src(%arg12 : memref<40x128xf32, #tpu.memory_space<vmem>>) dst(%dma_wait3A_81 : memref<10240x128xf32, #tpu.memory_space<vmem_shared>>)
    %dma_wait3A_82 = arith.constant 0 : i32
    %dma_wait3A_83 = tpu.memref_slice %arg11[%dma_wait3A_82] : memref<10000xi32, #tpu.memory_space<vmem>> -> memref<40xi32, #tpu.memory_space<vmem>>
    %dma_wait3A_84 = arith.constant 0 : i32
    %dma_wait3A_85 = tpu.memref_slice %arg31[%dma_wait3A_84] : memref<10000xf32, #tpu.memory_space<vmem_shared>> -> memref<10000xf32, #tpu.memory_space<vmem_shared>>
    tpu.wait_indirect_dma semaphore(%arg24 : memref<!tpu.dma_semaphore, #tpu.memory_space<semaphore_mem>>) src(%arg30 : memref<40xf32, #tpu.memory_space<vmem>>) dst(%dma_wait3A_85 : memref<10000xf32, #tpu.memory_space<vmem_shared>>)
    %multiple_of3A_86 = arith.constant 160 : i32
    %multiple_of3A_87 = tpu.assume_multiple %multiple_of3A_86, 8 : i32
    %dma_start3A_88 = tpu.memref_slice %arg10[%multiple_of3A_87] : memref<10000xi32, #tpu.memory_space<vmem>> -> memref<40xi32, #tpu.memory_space<vmem>>
    %dma_start3A_89 = arith.constant 0 : i32
    %dma_start3A_90 = arith.constant 0 : i32
    %dma_start3A_91 = tpu.memref_slice %arg2[%dma_start3A_89, %dma_start3A_90] : memref<10000x128xf32, #tpu.memory_space<hbm>> -> memref<10000x128xf32, #tpu.memory_space<hbm>>
    tpu.enqueue_indirect_dma source(%dma_start3A_91 : memref<10000x128xf32, #tpu.memory_space<hbm>>) target(%arg12 : memref<40x128xf32, #tpu.memory_space<vmem>>) offsets(%dma_start3A_88 : memref<40xi32, #tpu.memory_space<vmem>>) semaphore(%arg16 : memref<!tpu.dma_semaphore, #tpu.memory_space<semaphore_mem>>)
    %dma_wait3A_92 = arith.constant 0 : i32
    %dma_wait3A_93 = tpu.memref_slice %arg10[%dma_wait3A_92] : memref<10000xi32, #tpu.memory_space<vmem>> -> memref<40xi32, #tpu.memory_space<vmem>>
    %dma_wait3A_94 = arith.constant 0 : i32
    %dma_wait3A_95 = arith.constant 0 : i32
    %dma_wait3A_96 = tpu.memref_slice %arg2[%dma_wait3A_94, %dma_wait3A_95] : memref<10000x128xf32, #tpu.memory_space<hbm>> -> memref<10000x128xf32, #tpu.memory_space<hbm>>
    tpu.wait_indirect_dma semaphore(%arg19 : memref<!tpu.dma_semaphore, #tpu.memory_space<semaphore_mem>>) src(%dma_wait3A_96 : memref<10000x128xf32, #tpu.memory_space<hbm>>) dst(%arg15 : memref<40x128xf32, #tpu.memory_space<vmem>>)
    %multiple_of3A_97 = arith.constant 120 : i32
    %multiple_of3A_98 = tpu.assume_multiple %multiple_of3A_97, 8 : i32
    %dma_start3A_99 = tpu.memref_slice %arg11[%multiple_of3A_98] : memref<10000xi32, #tpu.memory_space<vmem>> -> memref<40xi32, #tpu.memory_space<vmem>>
    %dma_start3A_100 = arith.constant 0 : i32
    %dma_start3A_101 = arith.constant 0 : i32
    %dma_start3A_102 = tpu.memref_slice %arg29[%dma_start3A_100, %dma_start3A_101] : memref<10240x128xf32, #tpu.memory_space<vmem_shared>> -> memref<10240x128xf32, #tpu.memory_space<vmem_shared>>
    tpu.enqueue_indirect_dma source(%arg15 : memref<40x128xf32, #tpu.memory_space<vmem>>) target(%dma_start3A_102 : memref<10240x128xf32, #tpu.memory_space<vmem_shared>>) offsets(%dma_start3A_99 : memref<40xi32, #tpu.memory_space<vmem>>) semaphore(%arg23 : memref<!tpu.dma_semaphore, #tpu.memory_space<semaphore_mem>>) {add = true}
    %dma_start3A_103 = tpu.memref_slice %arg11[%multiple_of3A_98] : memref<10000xi32, #tpu.memory_space<vmem>> -> memref<40xi32, #tpu.memory_space<vmem>>
    %dma_start3A_104 = arith.constant 0 : i32
    %dma_start3A_105 = tpu.memref_slice %arg31[%dma_start3A_104] : memref<10000xf32, #tpu.memory_space<vmem_shared>> -> memref<10000xf32, #tpu.memory_space<vmem_shared>>
    tpu.enqueue_indirect_dma source(%arg30 : memref<40xf32, #tpu.memory_space<vmem>>) target(%dma_start3A_105 : memref<10000xf32, #tpu.memory_space<vmem_shared>>) offsets(%dma_start3A_103 : memref<40xi32, #tpu.memory_space<vmem>>) semaphore(%arg27 : memref<!tpu.dma_semaphore, #tpu.memory_space<semaphore_mem>>) {add = true}
    %dma_wait3A_106 = arith.constant 0 : i32
    %dma_wait3A_107 = tpu.memref_slice %arg11[%dma_wait3A_106] : memref<10000xi32, #tpu.memory_space<vmem>> -> memref<40xi32, #tpu.memory_space<vmem>>
    %dma_wait3A_108 = arith.constant 0 : i32
    %dma_wait3A_109 = arith.constant 0 : i32
    %dma_wait3A_110 = tpu.memref_slice %arg29[%dma_wait3A_108, %dma_wait3A_109] : memref<10240x128xf32, #tpu.memory_space<vmem_shared>> -> memref<10240x128xf32, #tpu.memory_space<vmem_shared>>
    tpu.wait_indirect_dma semaphore(%arg21 : memref<!tpu.dma_semaphore, #tpu.memory_space<semaphore_mem>>) src(%arg13 : memref<40x128xf32, #tpu.memory_space<vmem>>) dst(%dma_wait3A_110 : memref<10240x128xf32, #tpu.memory_space<vmem_shared>>)
    %dma_wait3A_111 = arith.constant 0 : i32
    %dma_wait3A_112 = tpu.memref_slice %arg11[%dma_wait3A_111] : memref<10000xi32, #tpu.memory_space<vmem>> -> memref<40xi32, #tpu.memory_space<vmem>>
    %dma_wait3A_113 = arith.constant 0 : i32
    %dma_wait3A_114 = tpu.memref_slice %arg31[%dma_wait3A_113] : memref<10000xf32, #tpu.memory_space<vmem_shared>> -> memref<10000xf32, #tpu.memory_space<vmem_shared>>
    tpu.wait_indirect_dma semaphore(%arg25 : memref<!tpu.dma_semaphore, #tpu.memory_space<semaphore_mem>>) src(%arg30 : memref<40xf32, #tpu.memory_space<vmem>>) dst(%dma_wait3A_114 : memref<10000xf32, #tpu.memory_space<vmem_shared>>)
    %multiple_of3A_115 = arith.constant 200 : i32
    %multiple_of3A_116 = tpu.assume_multiple %multiple_of3A_115, 8 : i32
    %dma_start3A_117 = tpu.memref_slice %arg10[%multiple_of3A_116] : memref<10000xi32, #tpu.memory_space<vmem>> -> memref<40xi32, #tpu.memory_space<vmem>>
    %dma_start3A_118 = arith.constant 0 : i32
    %dma_start3A_119 = arith.constant 0 : i32
    %dma_start3A_120 = tpu.memref_slice %arg2[%dma_start3A_118, %dma_start3A_119] : memref<10000x128xf32, #tpu.memory_space<hbm>> -> memref<10000x128xf32, #tpu.memory_space<hbm>>
    tpu.enqueue_indirect_dma source(%dma_start3A_120 : memref<10000x128xf32, #tpu.memory_space<hbm>>) target(%arg13 : memref<40x128xf32, #tpu.memory_space<vmem>>) offsets(%dma_start3A_117 : memref<40xi32, #tpu.memory_space<vmem>>) semaphore(%arg17 : memref<!tpu.dma_semaphore, #tpu.memory_space<semaphore_mem>>)
    %scan3A = arith.constant 0 : i32
    %scan3A_121 = arith.constant 1 : i32
    %scan3A_122 = arith.constant 61 : i32
    %scan3A_123 = arith.addi %scan3A_121, %scan3A_122 : i32
    %scan3A_124 = arith.constant 1 : i32
    scf.for %scan3A_200 = %scan3A_121 to %scan3A_123 step %scan3A_124  : i32 {
      %mul3A_201 = arith.constant 4 : i32
      %mul3A_202 = arith.muli %mul3A_201, %scan3A_200 : i32
      %dma_wait3A_203 = arith.constant 0 : i32
      %dma_wait3A_204 = tpu.memref_slice %arg10[%dma_wait3A_203] : memref<10000xi32, #tpu.memory_space<vmem>> -> memref<40xi32, #tpu.memory_space<vmem>>
      %dma_wait3A_205 = arith.constant 0 : i32
      %dma_wait3A_206 = arith.constant 0 : i32
      %dma_wait3A_207 = tpu.memref_slice %arg2[%dma_wait3A_205, %dma_wait3A_206] : memref<10000x128xf32, #tpu.memory_space<hbm>> -> memref<10000x128xf32, #tpu.memory_space<hbm>>
      tpu.wait_indirect_dma semaphore(%arg16 : memref<!tpu.dma_semaphore, #tpu.memory_space<semaphore_mem>>) src(%dma_wait3A_207 : memref<10000x128xf32, #tpu.memory_space<hbm>>) dst(%arg12 : memref<40x128xf32, #tpu.memory_space<vmem>>)
      %mul3A_208 = arith.constant 40 : i32
      %mul3A_209 = arith.muli %mul3A_202, %mul3A_208 : i32
      %multiple_of3A_210 = tpu.assume_multiple %mul3A_209, 8 : i32
      %dma_start3A_211 = tpu.memref_slice %arg11[%multiple_of3A_210] : memref<10000xi32, #tpu.memory_space<vmem>> -> memref<40xi32, #tpu.memory_space<vmem>>
      %dma_start3A_212 = arith.constant 0 : i32
      %dma_start3A_213 = arith.constant 0 : i32
      %dma_start3A_214 = tpu.memref_slice %arg29[%dma_start3A_212, %dma_start3A_213] : memref<10240x128xf32, #tpu.memory_space<vmem_shared>> -> memref<10240x128xf32, #tpu.memory_space<vmem_shared>>
      tpu.enqueue_indirect_dma source(%arg12 : memref<40x128xf32, #tpu.memory_space<vmem>>) target(%dma_start3A_214 : memref<10240x128xf32, #tpu.memory_space<vmem_shared>>) offsets(%dma_start3A_211 : memref<40xi32, #tpu.memory_space<vmem>>) semaphore(%arg20 : memref<!tpu.dma_semaphore, #tpu.memory_space<semaphore_mem>>) {add = true}
      %dma_start3A_215 = tpu.memref_slice %arg11[%multiple_of3A_210] : memref<10000xi32, #tpu.memory_space<vmem>> -> memref<40xi32, #tpu.memory_space<vmem>>
      %dma_start3A_216 = arith.constant 0 : i32
      %dma_start3A_217 = tpu.memref_slice %arg31[%dma_start3A_216] : memref<10000xf32, #tpu.memory_space<vmem_shared>> -> memref<10000xf32, #tpu.memory_space<vmem_shared>>
      tpu.enqueue_indirect_dma source(%arg30 : memref<40xf32, #tpu.memory_space<vmem>>) target(%dma_start3A_217 : memref<10000xf32, #tpu.memory_space<vmem_shared>>) offsets(%dma_start3A_215 : memref<40xi32, #tpu.memory_space<vmem>>) semaphore(%arg24 : memref<!tpu.dma_semaphore, #tpu.memory_space<semaphore_mem>>) {add = true}
      %dma_wait3A_218 = arith.constant 0 : i32
      %dma_wait3A_219 = tpu.memref_slice %arg11[%dma_wait3A_218] : memref<10000xi32, #tpu.memory_space<vmem>> -> memref<40xi32, #tpu.memory_space<vmem>>
      %dma_wait3A_220 = arith.constant 0 : i32
      %dma_wait3A_221 = arith.constant 0 : i32
      %dma_wait3A_222 = tpu.memref_slice %arg29[%dma_wait3A_220, %dma_wait3A_221] : memref<10240x128xf32, #tpu.memory_space<vmem_shared>> -> memref<10240x128xf32, #tpu.memory_space<vmem_shared>>
      tpu.wait_indirect_dma semaphore(%arg22 : memref<!tpu.dma_semaphore, #tpu.memory_space<semaphore_mem>>) src(%arg14 : memref<40x128xf32, #tpu.memory_space<vmem>>) dst(%dma_wait3A_222 : memref<10240x128xf32, #tpu.memory_space<vmem_shared>>)
      %dma_wait3A_223 = arith.constant 0 : i32
      %dma_wait3A_224 = tpu.memref_slice %arg11[%dma_wait3A_223] : memref<10000xi32, #tpu.memory_space<vmem>> -> memref<40xi32, #tpu.memory_space<vmem>>
      %dma_wait3A_225 = arith.constant 0 : i32
      %dma_wait3A_226 = tpu.memref_slice %arg31[%dma_wait3A_225] : memref<10000xf32, #tpu.memory_space<vmem_shared>> -> memref<10000xf32, #tpu.memory_space<vmem_shared>>
      tpu.wait_indirect_dma semaphore(%arg26 : memref<!tpu.dma_semaphore, #tpu.memory_space<semaphore_mem>>) src(%arg30 : memref<40xf32, #tpu.memory_space<vmem>>) dst(%dma_wait3A_226 : memref<10000xf32, #tpu.memory_space<vmem_shared>>)
      %add3A_227 = arith.constant 2 : i32
      %add3A_228 = arith.addi %mul3A_202, %add3A_227 : i32
      %mul3A_229 = arith.constant 40 : i32
      %mul3A_230 = arith.muli %add3A_228, %mul3A_229 : i32
      %multiple_of3A_231 = tpu.assume_multiple %mul3A_230, 8 : i32
      %dma_start3A_232 = tpu.memref_slice %arg10[%multiple_of3A_231] : memref<10000xi32, #tpu.memory_space<vmem>> -> memref<40xi32, #tpu.memory_space<vmem>>
      %dma_start3A_233 = arith.constant 0 : i32
      %dma_start3A_234 = arith.constant 0 : i32
      %dma_start3A_235 = tpu.memref_slice %arg2[%dma_start3A_233, %dma_start3A_234] : memref<10000x128xf32, #tpu.memory_space<hbm>> -> memref<10000x128xf32, #tpu.memory_space<hbm>>
      tpu.enqueue_indirect_dma source(%dma_start3A_235 : memref<10000x128xf32, #tpu.memory_space<hbm>>) target(%arg14 : memref<40x128xf32, #tpu.memory_space<vmem>>) offsets(%dma_start3A_232 : memref<40xi32, #tpu.memory_space<vmem>>) semaphore(%arg18 : memref<!tpu.dma_semaphore, #tpu.memory_space<semaphore_mem>>)
      %dma_wait3A_236 = arith.constant 0 : i32
      %dma_wait3A_237 = tpu.memref_slice %arg10[%dma_wait3A_236] : memref<10000xi32, #tpu.memory_space<vmem>> -> memref<40xi32, #tpu.memory_space<vmem>>
      %dma_wait3A_238 = arith.constant 0 : i32
      %dma_wait3A_239 = arith.constant 0 : i32
      %dma_wait3A_240 = tpu.memref_slice %arg2[%dma_wait3A_238, %dma_wait3A_239] : memref<10000x128xf32, #tpu.memory_space<hbm>> -> memref<10000x128xf32, #tpu.memory_space<hbm>>
      tpu.wait_indirect_dma semaphore(%arg17 : memref<!tpu.dma_semaphore, #tpu.memory_space<semaphore_mem>>) src(%dma_wait3A_240 : memref<10000x128xf32, #tpu.memory_space<hbm>>) dst(%arg13 : memref<40x128xf32, #tpu.memory_space<vmem>>)
      %add3A_241 = arith.constant 1 : i32
      %add3A_242 = arith.addi %mul3A_202, %add3A_241 : i32
      %mul3A_243 = arith.constant 40 : i32
      %mul3A_244 = arith.muli %add3A_242, %mul3A_243 : i32
      %multiple_of3A_245 = tpu.assume_multiple %mul3A_244, 8 : i32
      %dma_start3A_246 = tpu.memref_slice %arg11[%multiple_of3A_245] : memref<10000xi32, #tpu.memory_space<vmem>> -> memref<40xi32, #tpu.memory_space<vmem>>
      %dma_start3A_247 = arith.constant 0 : i32
      %dma_start3A_248 = arith.constant 0 : i32
      %dma_start3A_249 = tpu.memref_slice %arg29[%dma_start3A_247, %dma_start3A_248] : memref<10240x128xf32, #tpu.memory_space<vmem_shared>> -> memref<10240x128xf32, #tpu.memory_space<vmem_shared>>
      tpu.enqueue_indirect_dma source(%arg13 : memref<40x128xf32, #tpu.memory_space<vmem>>) target(%dma_start3A_249 : memref<10240x128xf32, #tpu.memory_space<vmem_shared>>) offsets(%dma_start3A_246 : memref<40xi32, #tpu.memory_space<vmem>>) semaphore(%arg21 : memref<!tpu.dma_semaphore, #tpu.memory_space<semaphore_mem>>) {add = true}
      %dma_start3A_250 = tpu.memref_slice %arg11[%multiple_of3A_245] : memref<10000xi32, #tpu.memory_space<vmem>> -> memref<40xi32, #tpu.memory_space<vmem>>
      %dma_start3A_251 = arith.constant 0 : i32
      %dma_start3A_252 = tpu.memref_slice %arg31[%dma_start3A_251] : memref<10000xf32, #tpu.memory_space<vmem_shared>> -> memref<10000xf32, #tpu.memory_space<vmem_shared>>
      tpu.enqueue_indirect_dma source(%arg30 : memref<40xf32, #tpu.memory_space<vmem>>) target(%dma_start3A_252 : memref<10000xf32, #tpu.memory_space<vmem_shared>>) offsets(%dma_start3A_250 : memref<40xi32, #tpu.memory_space<vmem>>) semaphore(%arg25 : memref<!tpu.dma_semaphore, #tpu.memory_space<semaphore_mem>>) {add = true}
      %dma_wait3A_253 = arith.constant 0 : i32
      %dma_wait3A_254 = tpu.memref_slice %arg11[%dma_wait3A_253] : memref<10000xi32, #tpu.memory_space<vmem>> -> memref<40xi32, #tpu.memory_space<vmem>>
      %dma_wait3A_255 = arith.constant 0 : i32
      %dma_wait3A_256 = arith.constant 0 : i32
      %dma_wait3A_257 = tpu.memref_slice %arg29[%dma_wait3A_255, %dma_wait3A_256] : memref<10240x128xf32, #tpu.memory_space<vmem_shared>> -> memref<10240x128xf32, #tpu.memory_space<vmem_shared>>
      tpu.wait_indirect_dma semaphore(%arg23 : memref<!tpu.dma_semaphore, #tpu.memory_space<semaphore_mem>>) src(%arg15 : memref<40x128xf32, #tpu.memory_space<vmem>>) dst(%dma_wait3A_257 : memref<10240x128xf32, #tpu.memory_space<vmem_shared>>)
      %dma_wait3A_258 = arith.constant 0 : i32
      %dma_wait3A_259 = tpu.memref_slice %arg11[%dma_wait3A_258] : memref<10000xi32, #tpu.memory_space<vmem>> -> memref<40xi32, #tpu.memory_space<vmem>>
      %dma_wait3A_260 = arith.constant 0 : i32
      %dma_wait3A_261 = tpu.memref_slice %arg31[%dma_wait3A_260] : memref<10000xf32, #tpu.memory_space<vmem_shared>> -> memref<10000xf32, #tpu.memory_space<vmem_shared>>
      tpu.wait_indirect_dma semaphore(%arg27 : memref<!tpu.dma_semaphore, #tpu.memory_space<semaphore_mem>>) src(%arg30 : memref<40xf32, #tpu.memory_space<vmem>>) dst(%dma_wait3A_261 : memref<10000xf32, #tpu.memory_space<vmem_shared>>)
      %add3A_262 = arith.constant 3 : i32
      %add3A_263 = arith.addi %mul3A_202, %add3A_262 : i32
      %mul3A_264 = arith.constant 40 : i32
      %mul3A_265 = arith.muli %add3A_263, %mul3A_264 : i32
      %multiple_of3A_266 = tpu.assume_multiple %mul3A_265, 8 : i32
      %dma_start3A_267 = tpu.memref_slice %arg10[%multiple_of3A_266] : memref<10000xi32, #tpu.memory_space<vmem>> -> memref<40xi32, #tpu.memory_space<vmem>>
      %dma_start3A_268 = arith.constant 0 : i32
      %dma_start3A_269 = arith.constant 0 : i32
      %dma_start3A_270 = tpu.memref_slice %arg2[%dma_start3A_268, %dma_start3A_269] : memref<10000x128xf32, #tpu.memory_space<hbm>> -> memref<10000x128xf32, #tpu.memory_space<hbm>>
      tpu.enqueue_indirect_dma source(%dma_start3A_270 : memref<10000x128xf32, #tpu.memory_space<hbm>>) target(%arg15 : memref<40x128xf32, #tpu.memory_space<vmem>>) offsets(%dma_start3A_267 : memref<40xi32, #tpu.memory_space<vmem>>) semaphore(%arg19 : memref<!tpu.dma_semaphore, #tpu.memory_space<semaphore_mem>>)
      %dma_wait3A_271 = arith.constant 0 : i32
      %dma_wait3A_272 = tpu.memref_slice %arg10[%dma_wait3A_271] : memref<10000xi32, #tpu.memory_space<vmem>> -> memref<40xi32, #tpu.memory_space<vmem>>
      %dma_wait3A_273 = arith.constant 0 : i32
      %dma_wait3A_274 = arith.constant 0 : i32
      %dma_wait3A_275 = tpu.memref_slice %arg2[%dma_wait3A_273, %dma_wait3A_274] : memref<10000x128xf32, #tpu.memory_space<hbm>> -> memref<10000x128xf32, #tpu.memory_space<hbm>>
      tpu.wait_indirect_dma semaphore(%arg18 : memref<!tpu.dma_semaphore, #tpu.memory_space<semaphore_mem>>) src(%dma_wait3A_275 : memref<10000x128xf32, #tpu.memory_space<hbm>>) dst(%arg14 : memref<40x128xf32, #tpu.memory_space<vmem>>)
      %add3A_276 = arith.constant 2 : i32
      %add3A_277 = arith.addi %mul3A_202, %add3A_276 : i32
      %mul3A_278 = arith.constant 40 : i32
      %mul3A_279 = arith.muli %add3A_277, %mul3A_278 : i32
      %multiple_of3A_280 = tpu.assume_multiple %mul3A_279, 8 : i32
      %dma_start3A_281 = tpu.memref_slice %arg11[%multiple_of3A_280] : memref<10000xi32, #tpu.memory_space<vmem>> -> memref<40xi32, #tpu.memory_space<vmem>>
      %dma_start3A_282 = arith.constant 0 : i32
      %dma_start3A_283 = arith.constant 0 : i32
      %dma_start3A_284 = tpu.memref_slice %arg29[%dma_start3A_282, %dma_start3A_283] : memref<10240x128xf32, #tpu.memory_space<vmem_shared>> -> memref<10240x128xf32, #tpu.memory_space<vmem_shared>>
      tpu.enqueue_indirect_dma source(%arg14 : memref<40x128xf32, #tpu.memory_space<vmem>>) target(%dma_start3A_284 : memref<10240x128xf32, #tpu.memory_space<vmem_shared>>) offsets(%dma_start3A_281 : memref<40xi32, #tpu.memory_space<vmem>>) semaphore(%arg22 : memref<!tpu.dma_semaphore, #tpu.memory_space<semaphore_mem>>) {add = true}
      %dma_start3A_285 = tpu.memref_slice %arg11[%multiple_of3A_280] : memref<10000xi32, #tpu.memory_space<vmem>> -> memref<40xi32, #tpu.memory_space<vmem>>
      %dma_start3A_286 = arith.constant 0 : i32
      %dma_start3A_287 = tpu.memref_slice %arg31[%dma_start3A_286] : memref<10000xf32, #tpu.memory_space<vmem_shared>> -> memref<10000xf32, #tpu.memory_space<vmem_shared>>
      tpu.enqueue_indirect_dma source(%arg30 : memref<40xf32, #tpu.memory_space<vmem>>) target(%dma_start3A_287 : memref<10000xf32, #tpu.memory_space<vmem_shared>>) offsets(%dma_start3A_285 : memref<40xi32, #tpu.memory_space<vmem>>) semaphore(%arg26 : memref<!tpu.dma_semaphore, #tpu.memory_space<semaphore_mem>>) {add = true}
      %dma_wait3A_288 = arith.constant 0 : i32
      %dma_wait3A_289 = tpu.memref_slice %arg11[%dma_wait3A_288] : memref<10000xi32, #tpu.memory_space<vmem>> -> memref<40xi32, #tpu.memory_space<vmem>>
      %dma_wait3A_290 = arith.constant 0 : i32
      %dma_wait3A_291 = arith.constant 0 : i32
      %dma_wait3A_292 = tpu.memref_slice %arg29[%dma_wait3A_290, %dma_wait3A_291] : memref<10240x128xf32, #tpu.memory_space<vmem_shared>> -> memref<10240x128xf32, #tpu.memory_space<vmem_shared>>
      tpu.wait_indirect_dma semaphore(%arg20 : memref<!tpu.dma_semaphore, #tpu.memory_space<semaphore_mem>>) src(%arg12 : memref<40x128xf32, #tpu.memory_space<vmem>>) dst(%dma_wait3A_292 : memref<10240x128xf32, #tpu.memory_space<vmem_shared>>)
      %dma_wait3A_293 = arith.constant 0 : i32
      %dma_wait3A_294 = tpu.memref_slice %arg11[%dma_wait3A_293] : memref<10000xi32, #tpu.memory_space<vmem>> -> memref<40xi32, #tpu.memory_space<vmem>>
      %dma_wait3A_295 = arith.constant 0 : i32
      %dma_wait3A_296 = tpu.memref_slice %arg31[%dma_wait3A_295] : memref<10000xf32, #tpu.memory_space<vmem_shared>> -> memref<10000xf32, #tpu.memory_space<vmem_shared>>
      tpu.wait_indirect_dma semaphore(%arg24 : memref<!tpu.dma_semaphore, #tpu.memory_space<semaphore_mem>>) src(%arg30 : memref<40xf32, #tpu.memory_space<vmem>>) dst(%dma_wait3A_296 : memref<10000xf32, #tpu.memory_space<vmem_shared>>)
      %add3A_297 = arith.constant 4 : i32
      %add3A_298 = arith.addi %mul3A_202, %add3A_297 : i32
      %mul3A_299 = arith.constant 40 : i32
      %mul3A_300 = arith.muli %add3A_298, %mul3A_299 : i32
      %multiple_of3A_301 = tpu.assume_multiple %mul3A_300, 8 : i32
      %dma_start3A_302 = tpu.memref_slice %arg10[%multiple_of3A_301] : memref<10000xi32, #tpu.memory_space<vmem>> -> memref<40xi32, #tpu.memory_space<vmem>>
      %dma_start3A_303 = arith.constant 0 : i32
      %dma_start3A_304 = arith.constant 0 : i32
      %dma_start3A_305 = tpu.memref_slice %arg2[%dma_start3A_303, %dma_start3A_304] : memref<10000x128xf32, #tpu.memory_space<hbm>> -> memref<10000x128xf32, #tpu.memory_space<hbm>>
      tpu.enqueue_indirect_dma source(%dma_start3A_305 : memref<10000x128xf32, #tpu.memory_space<hbm>>) target(%arg12 : memref<40x128xf32, #tpu.memory_space<vmem>>) offsets(%dma_start3A_302 : memref<40xi32, #tpu.memory_space<vmem>>) semaphore(%arg16 : memref<!tpu.dma_semaphore, #tpu.memory_space<semaphore_mem>>)
      %dma_wait3A_306 = arith.constant 0 : i32
      %dma_wait3A_307 = tpu.memref_slice %arg10[%dma_wait3A_306] : memref<10000xi32, #tpu.memory_space<vmem>> -> memref<40xi32, #tpu.memory_space<vmem>>
      %dma_wait3A_308 = arith.constant 0 : i32
      %dma_wait3A_309 = arith.constant 0 : i32
      %dma_wait3A_310 = tpu.memref_slice %arg2[%dma_wait3A_308, %dma_wait3A_309] : memref<10000x128xf32, #tpu.memory_space<hbm>> -> memref<10000x128xf32, #tpu.memory_space<hbm>>
      tpu.wait_indirect_dma semaphore(%arg19 : memref<!tpu.dma_semaphore, #tpu.memory_space<semaphore_mem>>) src(%dma_wait3A_310 : memref<10000x128xf32, #tpu.memory_space<hbm>>) dst(%arg15 : memref<40x128xf32, #tpu.memory_space<vmem>>)
      %add3A_311 = arith.constant 3 : i32
      %add3A_312 = arith.addi %mul3A_202, %add3A_311 : i32
      %mul3A_313 = arith.constant 40 : i32
      %mul3A_314 = arith.muli %add3A_312, %mul3A_313 : i32
      %multiple_of3A_315 = tpu.assume_multiple %mul3A_314, 8 : i32
      %dma_start3A_316 = tpu.memref_slice %arg11[%multiple_of3A_315] : memref<10000xi32, #tpu.memory_space<vmem>> -> memref<40xi32, #tpu.memory_space<vmem>>
      %dma_start3A_317 = arith.constant 0 : i32
      %dma_start3A_318 = arith.constant 0 : i32
      %dma_start3A_319 = tpu.memref_slice %arg29[%dma_start3A_317, %dma_start3A_318] : memref<10240x128xf32, #tpu.memory_space<vmem_shared>> -> memref<10240x128xf32, #tpu.memory_space<vmem_shared>>
      tpu.enqueue_indirect_dma source(%arg15 : memref<40x128xf32, #tpu.memory_space<vmem>>) target(%dma_start3A_319 : memref<10240x128xf32, #tpu.memory_space<vmem_shared>>) offsets(%dma_start3A_316 : memref<40xi32, #tpu.memory_space<vmem>>) semaphore(%arg23 : memref<!tpu.dma_semaphore, #tpu.memory_space<semaphore_mem>>) {add = true}
      %dma_start3A_320 = tpu.memref_slice %arg11[%multiple_of3A_315] : memref<10000xi32, #tpu.memory_space<vmem>> -> memref<40xi32, #tpu.memory_space<vmem>>
      %dma_start3A_321 = arith.constant 0 : i32
      %dma_start3A_322 = tpu.memref_slice %arg31[%dma_start3A_321] : memref<10000xf32, #tpu.memory_space<vmem_shared>> -> memref<10000xf32, #tpu.memory_space<vmem_shared>>
      tpu.enqueue_indirect_dma source(%arg30 : memref<40xf32, #tpu.memory_space<vmem>>) target(%dma_start3A_322 : memref<10000xf32, #tpu.memory_space<vmem_shared>>) offsets(%dma_start3A_320 : memref<40xi32, #tpu.memory_space<vmem>>) semaphore(%arg27 : memref<!tpu.dma_semaphore, #tpu.memory_space<semaphore_mem>>) {add = true}
      %dma_wait3A_323 = arith.constant 0 : i32
      %dma_wait3A_324 = tpu.memref_slice %arg11[%dma_wait3A_323] : memref<10000xi32, #tpu.memory_space<vmem>> -> memref<40xi32, #tpu.memory_space<vmem>>
      %dma_wait3A_325 = arith.constant 0 : i32
      %dma_wait3A_326 = arith.constant 0 : i32
      %dma_wait3A_327 = tpu.memref_slice %arg29[%dma_wait3A_325, %dma_wait3A_326] : memref<10240x128xf32, #tpu.memory_space<vmem_shared>> -> memref<10240x128xf32, #tpu.memory_space<vmem_shared>>
      tpu.wait_indirect_dma semaphore(%arg21 : memref<!tpu.dma_semaphore, #tpu.memory_space<semaphore_mem>>) src(%arg13 : memref<40x128xf32, #tpu.memory_space<vmem>>) dst(%dma_wait3A_327 : memref<10240x128xf32, #tpu.memory_space<vmem_shared>>)
      %dma_wait3A_328 = arith.constant 0 : i32
      %dma_wait3A_329 = tpu.memref_slice %arg11[%dma_wait3A_328] : memref<10000xi32, #tpu.memory_space<vmem>> -> memref<40xi32, #tpu.memory_space<vmem>>
      %dma_wait3A_330 = arith.constant 0 : i32
      %dma_wait3A_331 = tpu.memref_slice %arg31[%dma_wait3A_330] : memref<10000xf32, #tpu.memory_space<vmem_shared>> -> memref<10000xf32, #tpu.memory_space<vmem_shared>>
      tpu.wait_indirect_dma semaphore(%arg25 : memref<!tpu.dma_semaphore, #tpu.memory_space<semaphore_mem>>) src(%arg30 : memref<40xf32, #tpu.memory_space<vmem>>) dst(%dma_wait3A_331 : memref<10000xf32, #tpu.memory_space<vmem_shared>>)
      %add3A_332 = arith.constant 5 : i32
      %add3A_333 = arith.addi %mul3A_202, %add3A_332 : i32
      %mul3A_334 = arith.constant 40 : i32
      %mul3A_335 = arith.muli %add3A_333, %mul3A_334 : i32
      %multiple_of3A_336 = tpu.assume_multiple %mul3A_335, 8 : i32
      %dma_start3A_337 = tpu.memref_slice %arg10[%multiple_of3A_336] : memref<10000xi32, #tpu.memory_space<vmem>> -> memref<40xi32, #tpu.memory_space<vmem>>
      %dma_start3A_338 = arith.constant 0 : i32
      %dma_start3A_339 = arith.constant 0 : i32
      %dma_start3A_340 = tpu.memref_slice %arg2[%dma_start3A_338, %dma_start3A_339] : memref<10000x128xf32, #tpu.memory_space<hbm>> -> memref<10000x128xf32, #tpu.memory_space<hbm>>
      tpu.enqueue_indirect_dma source(%dma_start3A_340 : memref<10000x128xf32, #tpu.memory_space<hbm>>) target(%arg13 : memref<40x128xf32, #tpu.memory_space<vmem>>) offsets(%dma_start3A_337 : memref<40xi32, #tpu.memory_space<vmem>>) semaphore(%arg17 : memref<!tpu.dma_semaphore, #tpu.memory_space<semaphore_mem>>)
    }
    %scan3A_125 = arith.constant 61 : i32
    %dma_wait3A_126 = arith.constant 0 : i32
    %dma_wait3A_127 = tpu.memref_slice %arg10[%dma_wait3A_126] : memref<10000xi32, #tpu.memory_space<vmem>> -> memref<40xi32, #tpu.memory_space<vmem>>
    %dma_wait3A_128 = arith.constant 0 : i32
    %dma_wait3A_129 = arith.constant 0 : i32
    %dma_wait3A_130 = tpu.memref_slice %arg2[%dma_wait3A_128, %dma_wait3A_129] : memref<10000x128xf32, #tpu.memory_space<hbm>> -> memref<10000x128xf32, #tpu.memory_space<hbm>>
    tpu.wait_indirect_dma semaphore(%arg16 : memref<!tpu.dma_semaphore, #tpu.memory_space<semaphore_mem>>) src(%dma_wait3A_130 : memref<10000x128xf32, #tpu.memory_space<hbm>>) dst(%arg12 : memref<40x128xf32, #tpu.memory_space<vmem>>)
    %multiple_of3A_131 = arith.constant 9920 : i32
    %multiple_of3A_132 = tpu.assume_multiple %multiple_of3A_131, 8 : i32
    %dma_start3A_133 = tpu.memref_slice %arg11[%multiple_of3A_132] : memref<10000xi32, #tpu.memory_space<vmem>> -> memref<40xi32, #tpu.memory_space<vmem>>
    %dma_start3A_134 = arith.constant 0 : i32
    %dma_start3A_135 = arith.constant 0 : i32
    %dma_start3A_136 = tpu.memref_slice %arg29[%dma_start3A_134, %dma_start3A_135] : memref<10240x128xf32, #tpu.memory_space<vmem_shared>> -> memref<10240x128xf32, #tpu.memory_space<vmem_shared>>
    tpu.enqueue_indirect_dma source(%arg12 : memref<40x128xf32, #tpu.memory_space<vmem>>) target(%dma_start3A_136 : memref<10240x128xf32, #tpu.memory_space<vmem_shared>>) offsets(%dma_start3A_133 : memref<40xi32, #tpu.memory_space<vmem>>) semaphore(%arg20 : memref<!tpu.dma_semaphore, #tpu.memory_space<semaphore_mem>>) {add = true}
    %dma_start3A_137 = tpu.memref_slice %arg11[%multiple_of3A_132] : memref<10000xi32, #tpu.memory_space<vmem>> -> memref<40xi32, #tpu.memory_space<vmem>>
    %dma_start3A_138 = arith.constant 0 : i32
    %dma_start3A_139 = tpu.memref_slice %arg31[%dma_start3A_138] : memref<10000xf32, #tpu.memory_space<vmem_shared>> -> memref<10000xf32, #tpu.memory_space<vmem_shared>>
    tpu.enqueue_indirect_dma source(%arg30 : memref<40xf32, #tpu.memory_space<vmem>>) target(%dma_start3A_139 : memref<10000xf32, #tpu.memory_space<vmem_shared>>) offsets(%dma_start3A_137 : memref<40xi32, #tpu.memory_space<vmem>>) semaphore(%arg24 : memref<!tpu.dma_semaphore, #tpu.memory_space<semaphore_mem>>) {add = true}
    %dma_wait3A_140 = arith.constant 0 : i32
    %dma_wait3A_141 = tpu.memref_slice %arg11[%dma_wait3A_140] : memref<10000xi32, #tpu.memory_space<vmem>> -> memref<40xi32, #tpu.memory_space<vmem>>
    %dma_wait3A_142 = arith.constant 0 : i32
    %dma_wait3A_143 = arith.constant 0 : i32
    %dma_wait3A_144 = tpu.memref_slice %arg29[%dma_wait3A_142, %dma_wait3A_143] : memref<10240x128xf32, #tpu.memory_space<vmem_shared>> -> memref<10240x128xf32, #tpu.memory_space<vmem_shared>>
    tpu.wait_indirect_dma semaphore(%arg22 : memref<!tpu.dma_semaphore, #tpu.memory_space<semaphore_mem>>) src(%arg14 : memref<40x128xf32, #tpu.memory_space<vmem>>) dst(%dma_wait3A_144 : memref<10240x128xf32, #tpu.memory_space<vmem_shared>>)
    %dma_wait3A_145 = arith.constant 0 : i32
    %dma_wait3A_146 = tpu.memref_slice %arg11[%dma_wait3A_145] : memref<10000xi32, #tpu.memory_space<vmem>> -> memref<40xi32, #tpu.memory_space<vmem>>
    %dma_wait3A_147 = arith.constant 0 : i32
    %dma_wait3A_148 = tpu.memref_slice %arg31[%dma_wait3A_147] : memref<10000xf32, #tpu.memory_space<vmem_shared>> -> memref<10000xf32, #tpu.memory_space<vmem_shared>>
    tpu.wait_indirect_dma semaphore(%arg26 : memref<!tpu.dma_semaphore, #tpu.memory_space<semaphore_mem>>) src(%arg30 : memref<40xf32, #tpu.memory_space<vmem>>) dst(%dma_wait3A_148 : memref<10000xf32, #tpu.memory_space<vmem_shared>>)
    %dma_wait3A_149 = arith.constant 0 : i32
    %dma_wait3A_150 = tpu.memref_slice %arg10[%dma_wait3A_149] : memref<10000xi32, #tpu.memory_space<vmem>> -> memref<40xi32, #tpu.memory_space<vmem>>
    %dma_wait3A_151 = arith.constant 0 : i32
    %dma_wait3A_152 = arith.constant 0 : i32
    %dma_wait3A_153 = tpu.memref_slice %arg2[%dma_wait3A_151, %dma_wait3A_152] : memref<10000x128xf32, #tpu.memory_space<hbm>> -> memref<10000x128xf32, #tpu.memory_space<hbm>>
    tpu.wait_indirect_dma semaphore(%arg17 : memref<!tpu.dma_semaphore, #tpu.memory_space<semaphore_mem>>) src(%dma_wait3A_153 : memref<10000x128xf32, #tpu.memory_space<hbm>>) dst(%arg13 : memref<40x128xf32, #tpu.memory_space<vmem>>)
    %multiple_of3A_154 = arith.constant 9960 : i32
    %multiple_of3A_155 = tpu.assume_multiple %multiple_of3A_154, 8 : i32
    %dma_start3A_156 = tpu.memref_slice %arg11[%multiple_of3A_155] : memref<10000xi32, #tpu.memory_space<vmem>> -> memref<40xi32, #tpu.memory_space<vmem>>
    %dma_start3A_157 = arith.constant 0 : i32
    %dma_start3A_158 = arith.constant 0 : i32
    %dma_start3A_159 = tpu.memref_slice %arg29[%dma_start3A_157, %dma_start3A_158] : memref<10240x128xf32, #tpu.memory_space<vmem_shared>> -> memref<10240x128xf32, #tpu.memory_space<vmem_shared>>
    tpu.enqueue_indirect_dma source(%arg13 : memref<40x128xf32, #tpu.memory_space<vmem>>) target(%dma_start3A_159 : memref<10240x128xf32, #tpu.memory_space<vmem_shared>>) offsets(%dma_start3A_156 : memref<40xi32, #tpu.memory_space<vmem>>) semaphore(%arg21 : memref<!tpu.dma_semaphore, #tpu.memory_space<semaphore_mem>>) {add = true}
    %dma_start3A_160 = tpu.memref_slice %arg11[%multiple_of3A_155] : memref<10000xi32, #tpu.memory_space<vmem>> -> memref<40xi32, #tpu.memory_space<vmem>>
    %dma_start3A_161 = arith.constant 0 : i32
    %dma_start3A_162 = tpu.memref_slice %arg31[%dma_start3A_161] : memref<10000xf32, #tpu.memory_space<vmem_shared>> -> memref<10000xf32, #tpu.memory_space<vmem_shared>>
    tpu.enqueue_indirect_dma source(%arg30 : memref<40xf32, #tpu.memory_space<vmem>>) target(%dma_start3A_162 : memref<10000xf32, #tpu.memory_space<vmem_shared>>) offsets(%dma_start3A_160 : memref<40xi32, #tpu.memory_space<vmem>>) semaphore(%arg25 : memref<!tpu.dma_semaphore, #tpu.memory_space<semaphore_mem>>) {add = true}
    %dma_wait3A_163 = arith.constant 0 : i32
    %dma_wait3A_164 = tpu.memref_slice %arg11[%dma_wait3A_163] : memref<10000xi32, #tpu.memory_space<vmem>> -> memref<40xi32, #tpu.memory_space<vmem>>
    %dma_wait3A_165 = arith.constant 0 : i32
    %dma_wait3A_166 = arith.constant 0 : i32
    %dma_wait3A_167 = tpu.memref_slice %arg29[%dma_wait3A_165, %dma_wait3A_166] : memref<10240x128xf32, #tpu.memory_space<vmem_shared>> -> memref<10240x128xf32, #tpu.memory_space<vmem_shared>>
    tpu.wait_indirect_dma semaphore(%arg23 : memref<!tpu.dma_semaphore, #tpu.memory_space<semaphore_mem>>) src(%arg15 : memref<40x128xf32, #tpu.memory_space<vmem>>) dst(%dma_wait3A_167 : memref<10240x128xf32, #tpu.memory_space<vmem_shared>>)
    %dma_wait3A_168 = arith.constant 0 : i32
    %dma_wait3A_169 = tpu.memref_slice %arg11[%dma_wait3A_168] : memref<10000xi32, #tpu.memory_space<vmem>> -> memref<40xi32, #tpu.memory_space<vmem>>
    %dma_wait3A_170 = arith.constant 0 : i32
    %dma_wait3A_171 = tpu.memref_slice %arg31[%dma_wait3A_170] : memref<10000xf32, #tpu.memory_space<vmem_shared>> -> memref<10000xf32, #tpu.memory_space<vmem_shared>>
    tpu.wait_indirect_dma semaphore(%arg27 : memref<!tpu.dma_semaphore, #tpu.memory_space<semaphore_mem>>) src(%arg30 : memref<40xf32, #tpu.memory_space<vmem>>) dst(%dma_wait3A_171 : memref<10000xf32, #tpu.memory_space<vmem_shared>>)
    %dma_wait3A_172 = arith.constant 0 : i32
    %dma_wait3A_173 = tpu.memref_slice %arg11[%dma_wait3A_172] : memref<10000xi32, #tpu.memory_space<vmem>> -> memref<40xi32, #tpu.memory_space<vmem>>
    %dma_wait3A_174 = arith.constant 0 : i32
    %dma_wait3A_175 = arith.constant 0 : i32
    %dma_wait3A_176 = tpu.memref_slice %arg29[%dma_wait3A_174, %dma_wait3A_175] : memref<10240x128xf32, #tpu.memory_space<vmem_shared>> -> memref<10240x128xf32, #tpu.memory_space<vmem_shared>>
    tpu.wait_indirect_dma semaphore(%arg20 : memref<!tpu.dma_semaphore, #tpu.memory_space<semaphore_mem>>) src(%arg12 : memref<40x128xf32, #tpu.memory_space<vmem>>) dst(%dma_wait3A_176 : memref<10240x128xf32, #tpu.memory_space<vmem_shared>>)
    %dma_wait3A_177 = arith.constant 0 : i32
    %dma_wait3A_178 = tpu.memref_slice %arg11[%dma_wait3A_177] : memref<10000xi32, #tpu.memory_space<vmem>> -> memref<40xi32, #tpu.memory_space<vmem>>
    %dma_wait3A_179 = arith.constant 0 : i32
    %dma_wait3A_180 = tpu.memref_slice %arg31[%dma_wait3A_179] : memref<10000xf32, #tpu.memory_space<vmem_shared>> -> memref<10000xf32, #tpu.memory_space<vmem_shared>>
    tpu.wait_indirect_dma semaphore(%arg24 : memref<!tpu.dma_semaphore, #tpu.memory_space<semaphore_mem>>) src(%arg30 : memref<40xf32, #tpu.memory_space<vmem>>) dst(%dma_wait3A_180 : memref<10000xf32, #tpu.memory_space<vmem_shared>>)
    %dma_wait3A_181 = arith.constant 0 : i32
    %dma_wait3A_182 = tpu.memref_slice %arg11[%dma_wait3A_181] : memref<10000xi32, #tpu.memory_space<vmem>> -> memref<40xi32, #tpu.memory_space<vmem>>
    %dma_wait3A_183 = arith.constant 0 : i32
    %dma_wait3A_184 = arith.constant 0 : i32
    %dma_wait3A_185 = tpu.memref_slice %arg29[%dma_wait3A_183, %dma_wait3A_184] : memref<10240x128xf32, #tpu.memory_space<vmem_shared>> -> memref<10240x128xf32, #tpu.memory_space<vmem_shared>>
    tpu.wait_indirect_dma semaphore(%arg21 : memref<!tpu.dma_semaphore, #tpu.memory_space<semaphore_mem>>) src(%arg13 : memref<40x128xf32, #tpu.memory_space<vmem>>) dst(%dma_wait3A_185 : memref<10240x128xf32, #tpu.memory_space<vmem_shared>>)
    %dma_wait3A_186 = arith.constant 0 : i32
    %dma_wait3A_187 = tpu.memref_slice %arg11[%dma_wait3A_186] : memref<10000xi32, #tpu.memory_space<vmem>> -> memref<40xi32, #tpu.memory_space<vmem>>
    %dma_wait3A_188 = arith.constant 0 : i32
    %dma_wait3A_189 = tpu.memref_slice %arg31[%dma_wait3A_188] : memref<10000xf32, #tpu.memory_space<vmem_shared>> -> memref<10000xf32, #tpu.memory_space<vmem_shared>>
    tpu.wait_indirect_dma semaphore(%arg25 : memref<!tpu.dma_semaphore, #tpu.memory_space<semaphore_mem>>) src(%arg30 : memref<40xf32, #tpu.memory_space<vmem>>) dst(%dma_wait3A_189 : memref<10000xf32, #tpu.memory_space<vmem_shared>>)
    %barrier3A_190 = arith.constant 0 : index
    tpu.barrier barrier_id(%barrier3A_190)
    %mul3A_191 = arith.constant 640 : i32
    %mul3A_192 = arith.muli %arg1, %mul3A_191 : i32
    %mul3A_193 = arith.constant 640 : i32
    %mul3A_194 = arith.muli %arg1, %mul3A_193 : i32
    "tpu.region"() ({
      %run_scoped3A = tpu.sem_alloc : memref<!tpu.dma_semaphore, #tpu.memory_space<semaphore_mem>>
      %dma_start3A_200 = arith.constant 0 : i32
      %dma_start3A_201 = tpu.memref_slice %arg8[%arg0, %mul3A_194, %dma_start3A_200] : memref<2x10240x128xf32, #tpu.memory_space<hbm>> -> memref<1x640x128xf32, #tpu.memory_space<hbm>>
      %dma_start3A_202 = tpu.memref_squeeze %dma_start3A_201 : memref<1x640x128xf32, #tpu.memory_space<hbm>> -> memref<640x128xf32, #tpu.memory_space<hbm>>
      %dma_start3A_203 = arith.constant 0 : i32
      %dma_start3A_204 = tpu.memref_slice %arg29[%mul3A_192, %dma_start3A_203] : memref<10240x128xf32, #tpu.memory_space<vmem_shared>> -> memref<640x128xf32, #tpu.memory_space<vmem_shared>>
      tpu.enqueue_dma source(%dma_start3A_204 : memref<640x128xf32, #tpu.memory_space<vmem_shared>>) target(%dma_start3A_202 : memref<640x128xf32, #tpu.memory_space<hbm>>) target_semaphore(%run_scoped3A : memref<!tpu.dma_semaphore, #tpu.memory_space<semaphore_mem>>)
      %dma_wait3A_205 = arith.constant 0 : i32
      %dma_wait3A_206 = tpu.memref_slice %arg8[%arg0, %mul3A_194, %dma_wait3A_205] : memref<2x10240x128xf32, #tpu.memory_space<hbm>> -> memref<1x640x128xf32, #tpu.memory_space<hbm>>
      %dma_wait3A_207 = tpu.memref_squeeze %dma_wait3A_206 : memref<1x640x128xf32, #tpu.memory_space<hbm>> -> memref<640x128xf32, #tpu.memory_space<hbm>>
      %dma_wait3A_208 = arith.constant 0 : i32
      %dma_wait3A_209 = tpu.memref_slice %arg29[%mul3A_192, %dma_wait3A_208] : memref<10240x128xf32, #tpu.memory_space<vmem_shared>> -> memref<640x128xf32, #tpu.memory_space<vmem_shared>>
      tpu.wait_dma2 semaphore(%run_scoped3A : memref<!tpu.dma_semaphore, #tpu.memory_space<semaphore_mem>>) src(%dma_wait3A_209 : memref<640x128xf32, #tpu.memory_space<vmem_shared>>) dst(%dma_wait3A_207 : memref<640x128xf32, #tpu.memory_space<hbm>>)
      tpu.yield
    }) : () -> ()
    %eq3A_195 = arith.constant 0 : i32
    %eq3A_196 = arith.cmpi eq, %arg1, %eq3A_195 : i32
    %convert_element_type3A_197 = arith.extui %eq3A_196 : i1 to i32
    %cond3A_198 = arith.constant 0 : i32
    %cond3A_199 = arith.cmpi ne, %convert_element_type3A_197, %cond3A_198 : i32
    scf.if %cond3A_199 {
      "tpu.region"() ({
        %run_scoped3A = tpu.sem_alloc : memref<!tpu.dma_semaphore, #tpu.memory_space<semaphore_mem>>
        %dma_start3A_200 = arith.constant 0 : i32
        %dma_start3A_201 = tpu.memref_slice %arg9[%arg0, %dma_start3A_200] : memref<2x10000xf32, #tpu.memory_space<hbm>> -> memref<1x10000xf32, #tpu.memory_space<hbm>>
        %dma_start3A_202 = tpu.memref_squeeze %dma_start3A_201 : memref<1x10000xf32, #tpu.memory_space<hbm>> -> memref<10000xf32, #tpu.memory_space<hbm>>
        tpu.enqueue_dma source(%arg31 : memref<10000xf32, #tpu.memory_space<vmem_shared>>) target(%dma_start3A_202 : memref<10000xf32, #tpu.memory_space<hbm>>) target_semaphore(%run_scoped3A : memref<!tpu.dma_semaphore, #tpu.memory_space<semaphore_mem>>)
        %dma_wait3A_203 = arith.constant 0 : i32
        %dma_wait3A_204 = tpu.memref_slice %arg9[%arg0, %dma_wait3A_203] : memref<2x10000xf32, #tpu.memory_space<hbm>> -> memref<1x10000xf32, #tpu.memory_space<hbm>>
        %dma_wait3A_205 = tpu.memref_squeeze %dma_wait3A_204 : memref<1x10000xf32, #tpu.memory_space<hbm>> -> memref<10000xf32, #tpu.memory_space<hbm>>
        tpu.wait_dma2 semaphore(%run_scoped3A : memref<!tpu.dma_semaphore, #tpu.memory_space<semaphore_mem>>) src(%arg31 : memref<10000xf32, #tpu.memory_space<vmem_shared>>) dst(%dma_wait3A_205 : memref<10000xf32, #tpu.memory_space<hbm>>)
        tpu.yield
      }) : () -> ()
    } else {
    }
    return
  }
}

module attributes {stable_mosaic.version = 14 : i64} {
  func.func @_dense1_body(%arg0: i32, %arg1: memref<2x2000x128xf32, #tpu.memory_space<vmem>>, %arg2: memref<2x2000x1xf32, #tpu.memory_space<vmem>>, %arg3: memref<2000x128xf32, #tpu.memory_space<vmem>>, %arg4: memref<128x128xf32, #tpu.memory_space<vmem>>, %arg5: memref<1x128xf32, #tpu.memory_space<vmem>>, %arg6: memref<128x128xf32, #tpu.memory_space<vmem>>, %arg7: memref<2000x128xf32, #tpu.memory_space<vmem>>, %arg8: memref<2000x1xf32, #tpu.memory_space<vmem>>) attributes {dimension_semantics = [#tpu.dimension_semantics<arbitrary>], iteration_bounds = array<i64: 5>, scalar_prefetch = 0 : i64, scratch_operands = 0 : i64, tpu.core_type = #tpu.core_type<tc>, window_params = [{transform_indices = @transform_0, window_bounds = array<i64: 2, 2000, 128>}, {transform_indices = @transform_1, window_bounds = array<i64: 2, 2000, 1>}, {transform_indices = @transform_2, window_bounds = array<i64: 2000, 128>}, {pipeline_mode = #tpu.pipeline_mode<synchronous>, transform_indices = @transform_3, window_bounds = array<i64: 128, 128>}, {pipeline_mode = #tpu.pipeline_mode<synchronous>, transform_indices = @transform_4, window_bounds = array<i64: 1, 128>}, {pipeline_mode = #tpu.pipeline_mode<synchronous>, transform_indices = @transform_5, window_bounds = array<i64: 128, 128>}, {transform_indices = @transform_6, window_bounds = array<i64: 2000, 128>}, {transform_indices = @transform_7, window_bounds = array<i64: 2000, 1>}]} {
    %get3A = arith.constant 0 : index
    %get3A_0 = arith.constant 0 : index
    %get3A_1 = arith.constant 0 : index
    %get3A_2 = vector.load %arg1[%get3A, %get3A_0, %get3A_1] : memref<2x2000x128xf32, #tpu.memory_space<vmem>>, vector<1x2000x128xf32>
    %get3A_3 = vector.shape_cast %get3A_2 : vector<1x2000x128xf32> to vector<2000x128xf32>
    %get3A_4 = arith.constant 1 : index
    %get3A_5 = arith.constant 0 : index
    %get3A_6 = arith.constant 0 : index
    %get3A_7 = vector.load %arg1[%get3A_4, %get3A_5, %get3A_6] : memref<2x2000x128xf32, #tpu.memory_space<vmem>>, vector<1x2000x128xf32>
    %get3A_8 = vector.shape_cast %get3A_7 : vector<1x2000x128xf32> to vector<2000x128xf32>
    %add3A = arith.addf %get3A_3, %get3A_8 : vector<2000x128xf32>
    %get3A_9 = arith.constant 0 : index
    %get3A_10 = arith.constant 0 : index
    %get3A_11 = arith.constant 0 : index
    %get3A_12 = vector.load %arg2[%get3A_9, %get3A_10, %get3A_11] : memref<2x2000x1xf32, #tpu.memory_space<vmem>>, vector<1x2000x1xf32>
    %get3A_13 = vector.shape_cast %get3A_12 : vector<1x2000x1xf32> to vector<2000x1xf32>
    %get3A_14 = arith.constant 1 : index
    %get3A_15 = arith.constant 0 : index
    %get3A_16 = arith.constant 0 : index
    %get3A_17 = vector.load %arg2[%get3A_14, %get3A_15, %get3A_16] : memref<2x2000x1xf32, #tpu.memory_space<vmem>>, vector<1x2000x1xf32>
    %get3A_18 = vector.shape_cast %get3A_17 : vector<1x2000x1xf32> to vector<2000x1xf32>
    %add3A_19 = arith.addf %get3A_13, %get3A_18 : vector<2000x1xf32>
    %max3A = arith.constant 1.000000e+00 : f32
    %max3A_20 = vector.broadcast %max3A : f32 to vector<2000x1xf32>
    %max3A_21 = arith.maximumf %add3A_19, %max3A_20 : vector<2000x1xf32>
    %div3A = vector.broadcast %max3A_21 : vector<2000x1xf32> to vector<2000x128xf32>
    %div3A_22 = arith.divf %add3A, %div3A : vector<2000x128xf32>
    %get3A_23 = arith.constant 0 : index
    %get3A_24 = arith.constant 0 : index
    %get3A_25 = vector.load %arg4[%get3A_23, %get3A_24] : memref<128x128xf32, #tpu.memory_space<vmem>>, vector<128x128xf32>
    %dot_general3A = arith.constant dense<0.000000e+00> : vector<2000x128xf32>
    %dot_general3A_26 = tpu.matmul %div3A_22, %get3A_25, %dot_general3A {dimension_numbers = #tpu.dot_dimension_numbers<[1], [1], [0], [0], [0, 0, 1, 0], [], []>, transpose_lhs_hint = false} : vector<2000x128xf32>, vector<128x128xf32>, vector<2000x128xf32> -> vector<2000x128xf32>
    %get3A_27 = arith.constant 0 : index
    %get3A_28 = arith.constant 0 : index
    %get3A_29 = vector.load %arg3[%get3A_27, %get3A_28] : memref<2000x128xf32, #tpu.memory_space<vmem>>, vector<2000x128xf32>
    %get3A_30 = arith.constant 0 : index
    %get3A_31 = arith.constant 0 : index
    %get3A_32 = vector.load %arg6[%get3A_30, %get3A_31] : memref<128x128xf32, #tpu.memory_space<vmem>>, vector<128x128xf32>
    %dot_general3A_33 = arith.constant dense<0.000000e+00> : vector<2000x128xf32>
    %dot_general3A_34 = tpu.matmul %get3A_29, %get3A_32, %dot_general3A_33 {dimension_numbers = #tpu.dot_dimension_numbers<[1], [1], [0], [0], [0, 0, 1, 0], [], []>, transpose_lhs_hint = false} : vector<2000x128xf32>, vector<128x128xf32>, vector<2000x128xf32> -> vector<2000x128xf32>
    %get3A_35 = arith.constant 0 : index
    %get3A_36 = arith.constant 0 : index
    %get3A_37 = vector.load %arg5[%get3A_35, %get3A_36] : memref<1x128xf32, #tpu.memory_space<vmem>>, vector<1x128xf32>
    %get3A_38 = vector.shape_cast %get3A_37 : vector<1x128xf32> to vector<128xf32>
    %broadcast_in_dim3A = vector.shape_cast %get3A_38 : vector<128xf32> to vector<1x128xf32>
    %add3A_39 = vector.broadcast %broadcast_in_dim3A : vector<1x128xf32> to vector<2000x128xf32>
    %add3A_40 = arith.addf %dot_general3A_26, %add3A_39 : vector<2000x128xf32>
    %add3A_41 = arith.addf %add3A_40, %dot_general3A_34 : vector<2000x128xf32>
    %max3A_42 = arith.constant 0.000000e+00 : f32
    %max3A_43 = vector.broadcast %max3A_42 : f32 to vector<2000x128xf32>
    %max3A_44 = arith.maximumf %add3A_41, %max3A_43 : vector<2000x128xf32>
    %swap3A = arith.constant 0 : index
    %swap3A_45 = arith.constant 0 : index
    %swap3A_46 = vector.load %arg7[%swap3A, %swap3A_45] : memref<2000x128xf32, #tpu.memory_space<vmem>>, vector<2000x128xf32>
    tpu.vector_store %arg7[%swap3A, %swap3A_45], %max3A_44 {strides = array<i32>} : memref<2000x128xf32, #tpu.memory_space<vmem>>, vector<2000x128xf32>,
    %swap3A_47 = arith.constant 0 : index
    %swap3A_48 = arith.constant 0 : index
    %swap3A_49 = vector.load %arg8[%swap3A_47, %swap3A_48] : memref<2000x1xf32, #tpu.memory_space<vmem>>, vector<2000x1xf32>
    tpu.vector_store %arg8[%swap3A_47, %swap3A_48], %max3A_21 {strides = array<i32>} : memref<2000x1xf32, #tpu.memory_space<vmem>>, vector<2000x1xf32>,
    return
  }
  func.func @transform_0(%arg0: i32) -> (i32, i32, i32) {
    %c0_i32 = arith.constant 0 : i32
    %c0_i32_0 = arith.constant 0 : i32
    %c0_i32_1 = arith.constant 0 : i32
    return %c0_i32, %arg0, %c0_i32_0 : i32, i32, i32
  }
  func.func @transform_1(%arg0: i32) -> (i32, i32, i32) {
    %c0_i32 = arith.constant 0 : i32
    %c0_i32_0 = arith.constant 0 : i32
    %c0_i32_1 = arith.constant 0 : i32
    return %c0_i32, %arg0, %c0_i32_0 : i32, i32, i32
  }
  func.func @transform_2(%arg0: i32) -> (i32, i32) {
    %c0_i32 = arith.constant 0 : i32
    %c0_i32_0 = arith.constant 0 : i32
    return %arg0, %c0_i32 : i32, i32
  }
  func.func @transform_3(%arg0: i32) -> (i32, i32) {
    %c0_i32 = arith.constant 0 : i32
    %c0_i32_0 = arith.constant 0 : i32
    %c0_i32_1 = arith.constant 0 : i32
    return %c0_i32, %c0_i32_0 : i32, i32
  }
  func.func @transform_4(%arg0: i32) -> (i32, i32) {
    %c0_i32 = arith.constant 0 : i32
    %c0_i32_0 = arith.constant 0 : i32
    %c0_i32_1 = arith.constant 0 : i32
    return %c0_i32, %c0_i32_0 : i32, i32
  }
  func.func @transform_5(%arg0: i32) -> (i32, i32) {
    %c0_i32 = arith.constant 0 : i32
    %c0_i32_0 = arith.constant 0 : i32
    %c0_i32_1 = arith.constant 0 : i32
    return %c0_i32, %c0_i32_0 : i32, i32
  }
  func.func @transform_6(%arg0: i32) -> (i32, i32) {
    %c0_i32 = arith.constant 0 : i32
    %c0_i32_0 = arith.constant 0 : i32
    return %arg0, %c0_i32 : i32, i32
  }
  func.func @transform_7(%arg0: i32) -> (i32, i32) {
    %c0_i32 = arith.constant 0 : i32
    %c0_i32_0 = arith.constant 0 : i32
    return %arg0, %c0_i32 : i32, i32
  }
}

module attributes {stable_mosaic.version = 14 : i64} {
  func.func @_dense2_body(%arg0: i32, %arg1: memref<2x2000x128xf32, #tpu.memory_space<vmem>>, %arg2: memref<2000x1xf32, #tpu.memory_space<vmem>>, %arg3: memref<2000x128xf32, #tpu.memory_space<vmem>>, %arg4: memref<128x128xf32, #tpu.memory_space<vmem>>, %arg5: memref<1x128xf32, #tpu.memory_space<vmem>>, %arg6: memref<128x128xf32, #tpu.memory_space<vmem>>, %arg7: memref<2000x128xf32, #tpu.memory_space<vmem>>) attributes {dimension_semantics = [#tpu.dimension_semantics<arbitrary>], iteration_bounds = array<i64: 5>, scalar_prefetch = 0 : i64, scratch_operands = 0 : i64, tpu.core_type = #tpu.core_type<tc>, window_params = [{transform_indices = @transform_0, window_bounds = array<i64: 2, 2000, 128>}, {transform_indices = @transform_1, window_bounds = array<i64: 2000, 1>}, {transform_indices = @transform_2, window_bounds = array<i64: 2000, 128>}, {pipeline_mode = #tpu.pipeline_mode<synchronous>, transform_indices = @transform_3, window_bounds = array<i64: 128, 128>}, {pipeline_mode = #tpu.pipeline_mode<synchronous>, transform_indices = @transform_4, window_bounds = array<i64: 1, 128>}, {pipeline_mode = #tpu.pipeline_mode<synchronous>, transform_indices = @transform_5, window_bounds = array<i64: 128, 128>}, {transform_indices = @transform_6, window_bounds = array<i64: 2000, 128>}]} {
    %get3A = arith.constant 0 : index
    %get3A_0 = arith.constant 0 : index
    %get3A_1 = arith.constant 0 : index
    %get3A_2 = vector.load %arg1[%get3A, %get3A_0, %get3A_1] : memref<2x2000x128xf32, #tpu.memory_space<vmem>>, vector<1x2000x128xf32>
    %get3A_3 = vector.shape_cast %get3A_2 : vector<1x2000x128xf32> to vector<2000x128xf32>
    %get3A_4 = arith.constant 1 : index
    %get3A_5 = arith.constant 0 : index
    %get3A_6 = arith.constant 0 : index
    %get3A_7 = vector.load %arg1[%get3A_4, %get3A_5, %get3A_6] : memref<2x2000x128xf32, #tpu.memory_space<vmem>>, vector<1x2000x128xf32>
    %get3A_8 = vector.shape_cast %get3A_7 : vector<1x2000x128xf32> to vector<2000x128xf32>
    %add3A = arith.addf %get3A_3, %get3A_8 : vector<2000x128xf32>
    %get3A_9 = arith.constant 0 : index
    %get3A_10 = arith.constant 0 : index
    %get3A_11 = vector.load %arg2[%get3A_9, %get3A_10] : memref<2000x1xf32, #tpu.memory_space<vmem>>, vector<2000x1xf32>
    %div3A = vector.broadcast %get3A_11 : vector<2000x1xf32> to vector<2000x128xf32>
    %div3A_12 = arith.divf %add3A, %div3A : vector<2000x128xf32>
    %get3A_13 = arith.constant 0 : index
    %get3A_14 = arith.constant 0 : index
    %get3A_15 = vector.load %arg4[%get3A_13, %get3A_14] : memref<128x128xf32, #tpu.memory_space<vmem>>, vector<128x128xf32>
    %dot_general3A = arith.constant dense<0.000000e+00> : vector<2000x128xf32>
    %dot_general3A_16 = tpu.matmul %div3A_12, %get3A_15, %dot_general3A {dimension_numbers = #tpu.dot_dimension_numbers<[1], [1], [0], [0], [0, 0, 1, 0], [], []>, transpose_lhs_hint = false} : vector<2000x128xf32>, vector<128x128xf32>, vector<2000x128xf32> -> vector<2000x128xf32>
    %get3A_17 = arith.constant 0 : index
    %get3A_18 = arith.constant 0 : index
    %get3A_19 = vector.load %arg3[%get3A_17, %get3A_18] : memref<2000x128xf32, #tpu.memory_space<vmem>>, vector<2000x128xf32>
    %get3A_20 = arith.constant 0 : index
    %get3A_21 = arith.constant 0 : index
    %get3A_22 = vector.load %arg6[%get3A_20, %get3A_21] : memref<128x128xf32, #tpu.memory_space<vmem>>, vector<128x128xf32>
    %dot_general3A_23 = arith.constant dense<0.000000e+00> : vector<2000x128xf32>
    %dot_general3A_24 = tpu.matmul %get3A_19, %get3A_22, %dot_general3A_23 {dimension_numbers = #tpu.dot_dimension_numbers<[1], [1], [0], [0], [0, 0, 1, 0], [], []>, transpose_lhs_hint = false} : vector<2000x128xf32>, vector<128x128xf32>, vector<2000x128xf32> -> vector<2000x128xf32>
    %get3A_25 = arith.constant 0 : index
    %get3A_26 = arith.constant 0 : index
    %get3A_27 = vector.load %arg5[%get3A_25, %get3A_26] : memref<1x128xf32, #tpu.memory_space<vmem>>, vector<1x128xf32>
    %get3A_28 = vector.shape_cast %get3A_27 : vector<1x128xf32> to vector<128xf32>
    %broadcast_in_dim3A = vector.shape_cast %get3A_28 : vector<128xf32> to vector<1x128xf32>
    %add3A_29 = vector.broadcast %broadcast_in_dim3A : vector<1x128xf32> to vector<2000x128xf32>
    %add3A_30 = arith.addf %dot_general3A_16, %add3A_29 : vector<2000x128xf32>
    %add3A_31 = arith.addf %add3A_30, %dot_general3A_24 : vector<2000x128xf32>
    %swap3A = arith.constant 0 : index
    %swap3A_32 = arith.constant 0 : index
    %swap3A_33 = vector.load %arg7[%swap3A, %swap3A_32] : memref<2000x128xf32, #tpu.memory_space<vmem>>, vector<2000x128xf32>
    tpu.vector_store %arg7[%swap3A, %swap3A_32], %add3A_31 {strides = array<i32>} : memref<2000x128xf32, #tpu.memory_space<vmem>>, vector<2000x128xf32>,
    return
  }
  func.func @transform_0(%arg0: i32) -> (i32, i32, i32) {
    %c0_i32 = arith.constant 0 : i32
    %c0_i32_0 = arith.constant 0 : i32
    %c0_i32_1 = arith.constant 0 : i32
    return %c0_i32, %arg0, %c0_i32_0 : i32, i32, i32
  }
  func.func @transform_1(%arg0: i32) -> (i32, i32) {
    %c0_i32 = arith.constant 0 : i32
    %c0_i32_0 = arith.constant 0 : i32
    return %arg0, %c0_i32 : i32, i32
  }
  func.func @transform_2(%arg0: i32) -> (i32, i32) {
    %c0_i32 = arith.constant 0 : i32
    %c0_i32_0 = arith.constant 0 : i32
    return %arg0, %c0_i32 : i32, i32
  }
  func.func @transform_3(%arg0: i32) -> (i32, i32) {
    %c0_i32 = arith.constant 0 : i32
    %c0_i32_0 = arith.constant 0 : i32
    %c0_i32_1 = arith.constant 0 : i32
    return %c0_i32, %c0_i32_0 : i32, i32
  }
  func.func @transform_4(%arg0: i32) -> (i32, i32) {
    %c0_i32 = arith.constant 0 : i32
    %c0_i32_0 = arith.constant 0 : i32
    %c0_i32_1 = arith.constant 0 : i32
    return %c0_i32, %c0_i32_0 : i32, i32
  }
  func.func @transform_5(%arg0: i32) -> (i32, i32) {
    %c0_i32 = arith.constant 0 : i32
    %c0_i32_0 = arith.constant 0 : i32
    %c0_i32_1 = arith.constant 0 : i32
    return %c0_i32, %c0_i32_0 : i32, i32
  }
  func.func @transform_6(%arg0: i32) -> (i32, i32) {
    %c0_i32 = arith.constant 0 : i32
    %c0_i32_0 = arith.constant 0 : i32
    return %arg0, %c0_i32 : i32, i32
  }
}

</mosaic_0001>

<sc_bundles>
// kernel: kernel.6.cloned.1.call-start
scs
__scs_entry_jumppad:
0x0: {  	(pc) =	sbr.rel $0x88, $3  }
0x1: {  	(tag) =	ssettag $0x0;
	lr =	simm.s32 $0x1  }
0x2: {  	[smem:$0x3F99] =	sst lr;
	_ =	strace $0xD0000000  }
0x3: {  	_ = 	snop  }
0x4: {  	_ = 	snop  }
0x5: {  	_ = 	snop  }
0x6: {  	_ = 	snop  }
0x7: {  	_ = 	snop  }
__scs_overlays_trampoline_lowered:
0x8: {  	[smem:$0x3FA8] =	sst s0  }
0x9: {  	[smem:$0x3FA9] =	sst s1  }
0xa: {  	[smem:$0x3FAA] =	sst s2  }
0xb: {  	[smem:$0x3FAB] =	sst s3  }
0xc: {  	[smem:$0x3FAC] =	sst s4  }
0xd: {  	[smem:$0x3FAD] =	sst s5  }
0xe: {  	[smem:$0x3FAE] =	sst s6  }
0xf: {  	[smem:$0x3FAF] =	sst s7  }
0x10: {  	[smem:$0x3FB0] =	sst s8  }
0x11: {  	[smem:$0x3FB1] =	sst s9;
	s0 =	simm.s32 @!p0 $0x0  }
0x12: {  	s1 =	sld [smem:$0x3F97];
	s0 =	simm.s32 @p0 $0x1  }
0x13: {  	[smem:$0x3FB2] =	sst s0;
	s0 =	simm.s32 @!p1 $0x0  }
0x14: {  	s2 =	sld [smem:$0x3F96];
	s0 =	simm.s32 @p1 $0x1  }
0x15: {  	[smem:$0x3FB3] =	sst s0;
	s0 =	simm.s32 @!p2 $0x0  }
0x16: {  	s3 =	sld [smem:$0x3FDB];
	s0 =	simm.s32 @p2 $0x1  }
0x17: {  	s4 =	simm.s32 $0x1BF5;
	[smem:$0x3FB5] =	sst s0  }
0x18: {  	s0 =	sld [smem:$0x3F98];
	_ =	swait.ge [sflag:s4], $0x0  }
0x19: {  	s7 =	sld [smem:$0x3F99]  }
0x1a: {  	s8 =	sadd.s32 $0xFFFFE003, lr  }
0x1b: {  	s9 =	sadd.s32 $0xFFFFFEF7, lr;
	s5 =	simm.s32 $0xFFFFFFFF;
	p2 =	slt.u32 s8, $0xFFFFF086  }
0x1c: {  	p1 =	slt.u32 s9, $0xF7A;
	s5 =	simm.s32 @!p2 $0x0  }
0x1d: {  	s5 =	simm.s32 @p1 $0x1;
	p0 =	seq.s32 s7, s2  }
0x1e: {  	s7 =	smul.u32 @!p0 $0xF7A, s2;
	p2 =	seq.s32 @!p0 s5, $0x0  }
0x1f: {  	s9 =	smul.u32 $0xF7A, s1;
	s8 =	simm.s32 @!p0 $0x1BF5;
	p2 =	por !p2, p0  }
0x20: {  	[sflag:s8] =	ssyncset.s32 @!p0 $0xFFFFF086;
	s6 =	sadd.s32 @!p0 s3, s7;
	s7 =	simm.s32 @!p0 $0x108  }
0x21: {  	s3 =	sadd.s32 s3, s9;
	s6 =	sadd.s32 @!p0 $0x88, s6;
	s7 =	simm.s32 @p2 $0x1082  }
0x22: {  	[simem:s7], [sflag:s8] =	dma.local @!p0 [hbm:s6], $0xF7A  }
0x23: {  	s9 =	sor.u32 $0xD0000000, s2;
	s6 =	simm.s32 $0x108;
	_ =	swait.ge @!p0 [sflag:s8], $0x0  }
0x24: {  	s3 =	sadd.s32 $0x88, s3;
	s6 =	simm.s32 @!p1 $0x1082;
	[sflag:s4] =	ssyncset.s32 $0xFFFFF086  }
0x25: {  	[simem:s6], [sflag:s4] =	dma.local [hbm:s3], $0xF7A  }
0x26: {  	[smem:$0x3F99] =	sst s1;
	(tag) =	ssettag s2;
	_ =	strace s9  }
0x27: {  	s1 =	sld [smem:$0x3FA9]  }
0x28: {  	s2 =	sld [smem:$0x3FAA]  }
0x29: {  	s4 =	sld [smem:$0x3FAC]  }
0x2a: {  	p0 =	seq.s32 s5, $0x0;
	s5 =	sld [smem:$0x3FAD]  }
0x2b: {  	s6 =	sld [smem:$0x3FAE]  }
0x2c: {  	s7 =	sld [smem:$0x3FAF]  }
0x2d: {  	s3 =	simm.s32 $0x108;
	s8 =	sld [smem:$0x3FB0]  }
0x2e: {  	s3 =	simm.s32 @!p0 $0x1082;
	s9 =	sld [smem:$0x3FB1]  }
0x2f: {  	lr =	sadd.s32 s0, s3;
	s0 =	sld [smem:$0x3FA8]  }
0x30: {  	s3 =	sld [smem:$0x3FAB]  }
0x31: {  	[smem:$0x3FB4] =	sst s10  }
0x32: {  	s10 =	sld [smem:$0x3FB2];
	_ =	sdelay $0x3  }
0x33: {  	p0 =	seq.s32 s10, $0x1;
	s10 =	sld [smem:$0x3FB4];
	_ =	sdelay $0x3  }
0x34: {  	[smem:$0x3FB4] =	sst s10  }
0x35: {  	s10 =	sld [smem:$0x3FB3];
	_ =	sdelay $0x3  }
0x36: {  	p1 =	seq.s32 s10, $0x1;
	s10 =	sld [smem:$0x3FB4];
	_ =	sdelay $0x3  }
0x37: {  	[smem:$0x3FB4] =	sst s10  }
0x38: {  	s10 =	sld [smem:$0x3FB5]  }
0x39: {  	_ = 	snop;
	(pc) =	sbr.ind lr, $3  }
0x3a: {  	_ = 	snop  }
0x3b: {  	_ = 	snop  }
0x3c: {  	p2 =	seq.s32 s10, $0x1;
	s10 =	sld [smem:$0x3FB4]  }
0x3d: {  	_ =	shalt  }
0x3e: {  	_ =	shalt  }
0x3f: {  	_ =	shalt  }
0x40: {  	_ =	shalt  }
0x41: {  	_ =	shalt  }
0x42: {  	_ =	shalt  }
0x43: {  	_ =	shalt  }
0x44: {  	_ =	shalt  }
0x45: {  	_ =	shalt  }
0x46: {  	_ =	shalt  }
0x47: {  	_ =	shalt  }
0x48: {  	_ =	shalt  }
0x49: {  	_ =	shalt  }
0x4a: {  	_ =	shalt  }
0x4b: {  	_ =	shalt  }
0x4c: {  	_ =	shalt  }
0x4d: {  	_ =	shalt  }
0x4e: {  	_ =	shalt  }
0x4f: {  	_ =	shalt  }
0x50: {  	_ =	shalt  }
0x51: {  	_ =	shalt  }
0x52: {  	_ =	shalt  }
0x53: {  	_ =	shalt  }
0x54: {  	_ =	shalt  }
0x55: {  	_ =	shalt  }
0x56: {  	_ =	shalt  }
0x57: {  	_ =	shalt  }
0x58: {  	_ =	shalt  }
0x59: {  	_ =	shalt  }
0x5a: {  	_ =	shalt  }
0x5b: {  	_ =	shalt  }
0x5c: {  	_ =	shalt  }
0x5d: {  	_ =	shalt  }
0x5e: {  	_ =	shalt  }
0x5f: {  	_ =	shalt  }
0x60: {  	_ =	shalt  }
0x61: {  	_ =	shalt  }
0x62: {  	_ =	shalt  }
0x63: {  	_ =	shalt  }
0x64: {  	_ =	shalt  }
0x65: {  	_ =	shalt  }
0x66: {  	_ =	shalt  }
0x67: {  	_ =	shalt  }
0x68: {  	_ =	shalt  }
0x69: {  	_ =	shalt  }
0x6a: {  	_ =	shalt  }
0x6b: {  	_ =	shalt  }
0x6c: {  	_ =	shalt  }
0x6d: {  	_ =	shalt  }
0x6e: {  	_ =	shalt  }
0x6f: {  	_ =	shalt  }
0x70: {  	_ =	shalt  }
0x71: {  	_ =	shalt  }
0x72: {  	_ =	shalt  }
0x73: {  	_ =	shalt  }
0x74: {  	_ =	shalt  }
0x75: {  	_ =	shalt  }
0x76: {  	_ =	shalt  }
0x77: {  	_ =	shalt  }
0x78: {  	_ =	shalt  }
0x79: {  	_ =	shalt  }
0x7a: {  	_ =	shalt  }
0x7b: {  	_ =	shalt  }
0x7c: {  	_ =	shalt  }
0x7d: {  	_ =	shalt  }
0x7e: {  	_ =	shalt  }
0x7f: {  	_ =	shalt  }
0x80: {  	_ =	shalt  }
0x81: {  	_ =	shalt  }
0x82: {  	_ =	shalt  }
0x83: {  	_ =	shalt  }
0x84: {  	_ =	shalt  }
0x85: {  	_ =	shalt  }
0x86: {  	_ =	shalt  }
0x87: {  	_ =	shalt  }
.Lfunc_end0:
.L_simem_size_0:
called_computation_lowered:
.L_overlay_start_0:
0x88: {  	s2 =	sld [smem:$0x3FD9]  }
0x89: {  	s3 =	sld [smem:$0x3FFE];
	_ =	sdelay $0x1  }
0x8a: {  	s1 =	srdreg.scid  }
0x8b: {  	s0 =	sand.u32 $0x1, s1  }
0x8c: {  	s17 =	sshll.u32 s0, $0xA;
	s2 =	sadd.s32 s3, s2  }
0x8d: {  	s2 =	sadd.s32 s2, s17  }
0x8e: {  	[smem:$0x3FC0] =	sst s2  }
0x8f: {  	_ = 	snop  }
0x90: {  	s2 =	sld [smem:$0x3FC9]  }
0x91: {  	s18 =	sld [smem:$0x3FD0];
	(tm) =	ssettm $0x1  }
0x92: {  	s4 =	sld [smem:$0x3FFB];
	_ =	sdelay $0x3  }
0x93: {  	_ =	strace s4  }
0x94: {  	s4 =	sld [smem:$0x3FFC];
	_ =	sdelay $0x3  }
0x95: {  	_ =	strace s4  }
0x96: {  	s4 =	sld [smem:$0x3FFD];
	_ =	sdelay $0x3  }
0x97: {  	_ =	strace s4  }
0x98: {  	_ =	strace $0x8FFFFFFF  }
0x99: {  	s19 =	sld [smem:$0x3FDB];
	_ =	sdelay $0x1  }
0x9a: {  	s5 =	simm.s32 $_scs_section_size  }
0x9b: {  	s6 =	simm.s32 $_size__tile_overlayer_lowered;
	s7 =	simm.s32 $_tile_overlayer_lowered  }
0x9c: {  	s22 =	simm.s32 $0x1BFF;
	s21 =	sshll.u32 s7, $0x1;
	s4 =	sadd.s32 s5, s19  }
0x9d: {  	s8 =	simm.s32 $0x0;
	s20 =	sshll.u32 s6, $0x1;
	s6 =	sadd.s32 s21, s4  }
0x9e: {  	[timem:s8], [sflag:s22] =	dma.local [hbm:s6], s20  }
0x9f: {  	_ =	swait.ge [sflag:s22], s20  }
0xa0: {  	s5 =	ssub.s32 $0x0, s20;
	[sflag:s22] =	ssyncset.done $0x0  }
0xa1: {  	[sflag:s22] =	ssyncadd.s32 s5;
	_ =	sdelay $0x1  }
0xa2: {  	s23 =	simm.s32 $0x1B8B  }
0xa3: {  	_ =	swait.ge [sflag:s23], $0x1  }
0xa4: {  	[sflag:s23] =	ssyncset.done $0x0  }
0xa5: {  	s25 =	simm.s32 $0x1B8E;
	s24 =	sld [smem:$0x3FFE];
	[sflag:s23] =	ssyncadd.s32 $0xFFFFFFFF  }
0xa6: {  	s26 =	simm.s32 $execute0_lowered;
	[smem:$0x3FD2] =	sst s25  }
0xa7: {  	s6 =	sshll.u32 s26, $0x1;
	_ =	strace $0x80000046;
	[dreg:$0x1] =	wrdreg $0xFFFFFFFF  }
0xa8: {  	s28 =	simm.s32 $_size_execute0_lowered;
	s4 =	sadd.s32 s4, s6;
	[dreg:$0x0] =	wrdreg $0x0  }
0xa9: {  	s6 =	sshll.u32 s28, $0x1;
	[dreg:$0x2] =	wrdreg s4  }
0xaa: {  	[dreg:$0x3] =	wrdreg s6  }
0xab: {  	[dreg:$0x4] =	wrdreg $0xC0  }
0xac: {  	_ =	task [dreg:s8], $0x5FFFF  }
0xad: {  	[dreg:$0x1] =	wrdreg $0xFFFFFFFF  }
0xae: {  	[dreg:$0x0] =	wrdreg $0x60  }
0xaf: {  	[dreg:$0x2] =	wrdreg s2  }
0xb0: {  	[dreg:$0x3] =	wrdreg s24  }
0xb1: {  	[dreg:$0x4] =	wrdreg s18  }
0xb2: {  	[dreg:$0x5] =	wrdreg $0x9F000  }
0xb3: {  	[dreg:$0x6] =	wrdreg $0x1DF800  }
0xb4: {  	[dreg:$0x7] =	wrdreg $0x9  }
0xb5: {  	_ =	task.clear_ibuf [dreg:s8], $0x8FFFF;
	_ =	strace $0x90000046  }
0xb6: {  	s29 =	simm.s32 $0x9;
	_ =	strace $0x80000048  }
0xb7: {  	_ =	swait.ge [sflag:s29], $0x1  }
0xb8: {  	[sflag:s29] =	ssyncadd.s32 $0xFFFFFFFF  }
0xb9: {  	_ =	strace $0x90000048  }
0xba: {  	_ =	sfence  }
0xbb: {  	s30 =	sld [smem:$0x0];
	_ =	sdelay $0x2  }
0xbc: {  	s31 =	sshll.u32 s1, $0xD;
	s1 =	sshrl.u32 s1, $0x2  }
0xbd: {  	s3 =	sand.u32 $0x4000, s31;
	s1 =	sadd.s32 s1, s30  }
0xbe: {  	s0 =	sor.u32 s3, s0;
	s1 =	sshll.u32 s1, $0x11  }
0xbf: {  	s0 =	sor.u32 s1, s0  }
0xc0: {  	s0 =	sadd.s32 $0x8F2B, s0  }
0xc1: {  	[sflag:s0] =	ssyncadd.remote.s32 $0x1  }
0xc2: {  	_ =	sfence.sel $0xFFFF  }
0xc3: {  	[dreg:$0x0] =	wrdreg $0xFFFFFFFF;
	(pc) =	sbr.abs _section_cstart, $3  }
0xc4: {  	[dreg:$0x1] =	wrdreg $0xFFFFFFFF  }
0xc5: {  	_ =	task.clear_ibuf [dreg:s8], $0x2FFFF;
	_ =	strace $0x9FFFFFFF  }
0xc6: {  	(tm) =	ssettm $0x7FFFFFFF  }
0xc7: {  	_ =	shalt  }
tec
execute0_lowered:
.L_overlay_start_1:
0x0: {  	(tag) =	ssettag $0x1  }
0x1: {  	s0 =	rddreg [dreg:$0x0]  }
0x2: {  	s5 =	rddreg [dreg:$0x1]  }
0x3: {  	s1 =	srdreg.scid;
	s6 =	rddreg [dreg:$0x2]  }
0x4: {  	s7 =	stileid.u32;
	s2 =	rddreg [dreg:$0x3]  }
0x5: {  	s3 =	rddreg [dreg:$0x4];
	s17 =	simm.s32 $0x1DF00;
	s18 =	simm.s32 $0xE  }
0x6: {  	s28 =	simm.s32 $0x2;
	s31 =	simm.s32 $0x8B00;
	s30 =	simm.s32 $0x5  }
0x7: {  	s13 =	simm.s32 $0x8;
	s14 =	simm.s32 $0xC;
	s1 =	sand.u32 $0x1, s1  }
0x8: {  	s11 =	smul.u32 $0x14000, s7;
	s12 =	sadd.s32 $0x16A00, s5;
	s19 =	sadd.s32 $0x16400, s5  }
0x9: {  	s20 =	smul.u32 $0x50000, s7;
	s21 =	sadd.s32 $0x16200, s5;
	s23 =	sshll.u32 s7, $0x6  }
0xa: {  	p0 =	sne.s32 s7, $0x0;
	s8 =	sshll.u32 s1, $0x4;
	s10 =	smul.u32 $0x140000, s1  }
0xb: {  	s1 =	ssub.s32 $0x2, s1;
	s25 =	sor.u32 $0x1C0D, s23;
	s4 =	sor.u32 s7, s8  }
0xc: {  	s16 =	sshrl.u32 @!p0 s3, $0x3;
	s9 =	smul.u32 $0x4E2, s4;
	s4 =	simm.s32 $0x0  }
0xd: {  	s22 =	sshrl.u32 s1, $0x1;
	s29 =	sadd.s32 s6, s8;
	[smem:$0x7FF] =	sst s4  }
0xe: {  	s6 =	simm.s32 $0x4;
	_ =	strace $0x80000047;
	[dreg:$0x6] =	wrdreg s12  }
0xf: {  	s10 =	sadd.s32 s11, s10;
	s11 =	sshrl.u32 s20, $0x2;
	[dreg:$0x7] =	wrdreg s19  }
0x10: {  	s1 =	ssub.s32 s1, s22;
	s20 =	simm.s32 $0x28;
	[dreg:$0x8] =	wrdreg s21  }
0x11: {  	s22 =	simm.s32 $0x6300;
	s10 =	sshrl.u32 s10, $0x3;
	[dreg:$0x9] =	wrdreg s23  }
0x12: {  	s24 =	sadd.s32 s11, s2;
	s1 =	smax.u32 s1, $0x1;
	[dreg:$0xa] =	wrdreg s25  }
0x13: {  	s11 =	simm.s32 $0x7;
	s9 =	sadd.s32 s9, s5;
	[dreg:$0xe] =	wrdreg s29  }
0x14: {  	s5 =	sadd.s32 s10, s5;
	[dreg:$0xf] =	wrdreg s1;
	s15 =	sshrl.u32 s24, $0x3  }
0x15: {  	s21 =	simm.s32 $0x4F00;
	s24 =	simm.s32 $0x1;
	s26 =	sadd.s32 $0xC400, s9  }
0x16: {  	s1 =	simm.s32 $0x3;
	s9 =	sadd.s32 $0x2600, s9;
	[dreg:$0xb] =	wrdreg s26  }
0x17: {  	s10 =	simm.s32 $0xA;
	s5 =	sadd.s32 $0x19200, s5;
	[dreg:$0xc] =	wrdreg s9  }
0x18: {  	s12 =	simm.s32 $0xB;
	s25 =	simm.s32 $0x0;
	[dreg:$0xd] =	wrdreg s5  }
0x19: {  	s26 =	simm.s32 $0x7700;
	s5 =	simm.s32 $0x9;
	s9 =	simm.s32 $0x6  }
.LBB2_1:
0x1a: {  	s7 =	rddreg [dreg:$0x6]  }
0x1b: {  	s8 =	rddreg [dreg:$0xa]  }
0x1c: {  	[spmem:s15], [sflag:s8] =	dma.local [hbm:s7], $0x2800  }
0x1d: {  	s7 =	simm.s32 @!p0 $0x1C0E;
	s8 =	rddreg [dreg:$0x7]  }
0x1e: {  	[spmem:s16], [sflag:s7] =	dma.local @!p0 [hbm:s8], $0x4F0  }
0x1f: {  	s7 =	simm.s32 @!p0 $0xE  }
0x20: {  	_ =	swait.ge @!p0 [sflag:s7], $0x4F0  }
0x21: {  	[sflag:s7] =	ssyncset.done @!p0 $0x0  }
0x22: {  	s8 =	rddreg [dreg:$0x8];
	[sflag:s7] =	ssyncadd.s32 @!p0 $0xFFFFFB10  }
0x23: {  	[tilespmem:s17], [sflag:$0xE] =	stream.linear.gather [hbm4b:s8+s4], $0x80, $0x38;
	[tilespmem:$0x1E1F8] =	vst v63  }
0x24: {  	_ =	swait.ge [sflag:s18], $0x80  }
0x25: {  	[sflag:s18] =	ssyncset.done $0x0  }
0x26: {  	s19 =	rddreg [dreg:$0xb];
	[sflag:s18] =	ssyncadd.s32 $0xFFFFFF80  }
0x27: {  	[tilespmem:s4], [sflag:$0xE] =	stream.linear.gather [hbm4b:s19+s4], $0x2710, $0x38;
	[tilespmem:$0x1E1F8] =	vst v63  }
0x28: {  	_ =	swait.ge [sflag:s18], $0x2710  }
0x29: {  	[sflag:s18] =	ssyncset.done $0x0  }
0x2a: {  	s29 =	simm.s32 $0x2780;
	s23 =	rddreg [dreg:$0xc];
	[sflag:s18] =	ssyncadd.s32 $0xFFFFD8F0  }
0x2b: {  	[tilespmem:s29], [sflag:$0xE] =	stream.linear.gather [hbm4b:s23+s4], $0x2710, $0x38;
	[tilespmem:$0x1E1F8] =	vst v63  }
0x2c: {  	_ =	swait.ge [sflag:s18], $0x2710  }
0x2d: {  	[sflag:s18] =	ssyncset.done $0x0  }
0x2e: {  	[sflag:s18] =	ssyncadd.s32 $0xFFFFD8F0  }
0x2f: {  	[tilespmem:s21], [sflag:$0x1] =	stream.indirect.gather [hbm4b:s0+s20], $0x80, s4, s20, $0xb8;
	[tilespmem:$0x1E1F8] =	vst v63  }
0x30: {  	s19 =	simm.s32 $0xD  }
0x31: {  	[tilespmem:s22], [sflag:$0x2] =	stream.indirect.gather [hbm4b:s0+s20], $0x80, s20, s20, $0xb8;
	[tilespmem:$0x1E1F8] =	vst v63  }
0x32: {  	_ =	swait.ge [sflag:s19], $0x2800  }
0x33: {  	[sflag:s19] =	ssyncset.done $0x0  }
0x34: {  	[sflag:s19] =	ssyncadd.s32 $0xFFFFD800  }
0x35: {  	[bflag:$0x0] =	sbarrier.arrive $0xFFFF  }
0x36: {  	_ =	swait.ge [sflag:s24], $0x1400  }
0x37: {  	[sflag:s24] =	ssyncset.done $0x0  }
0x38: {  	[sflag:s24] =	ssyncadd.s32 $0xFFFFEC00  }
0x39: {  	[spmem:s2] =	stream.indirect.scatter.add.f32 [tilespmem:s21], [sflag:$0x5], $0x80, s29, s20, $0xb8;
	[tilespmem:$0x1E1F8] =	vst v63  }
0x3a: {  	_ = 	snop  }
0x3b: {  	[spmem:s3] =	stream.indirect.scatter.add.f32 [tilespmem:s17], [sflag:$0x9], $0x1, s29, s20, $0xb8;
	[tilespmem:$0x1E1F8] =	vst v63  }
0x3c: {  	s23 =	simm.s32 $0x50  }
0x3d: {  	[tilespmem:s26], [sflag:$0x3] =	stream.indirect.gather [hbm4b:s0+s20], $0x80, s23, s20, $0xb8;
	[tilespmem:$0x1E1F8] =	vst v63  }
0x3e: {  	_ =	swait.ge [sflag:s28], $0x1400  }
0x3f: {  	[sflag:s28] =	ssyncset.done $0x0  }
0x40: {  	s29 =	simm.s32 $0x27A8;
	[sflag:s28] =	ssyncadd.s32 $0xFFFFEC00  }
0x41: {  	[spmem:s2] =	stream.indirect.scatter.add.f32 [tilespmem:s22], [sflag:$0x6], $0x80, s29, s20, $0xb8;
	[tilespmem:$0x1E1F8] =	vst v63  }
0x42: {  	_ = 	snop  }
0x43: {  	[spmem:s3] =	stream.indirect.scatter.add.f32 [tilespmem:s17], [sflag:$0xA], $0x1, s29, s20, $0xb8;
	[tilespmem:$0x1E1F8] =	vst v63  }
0x44: {  	s8 =	simm.s32 $0x78  }
0x45: {  	[tilespmem:s31], [sflag:$0x4] =	stream.indirect.gather [hbm4b:s0+s20], $0x80, s8, s20, $0xb8;
	[tilespmem:$0x1E1F8] =	vst v63  }
0x46: {  	_ =	swait.ge [sflag:s1], $0x1400  }
0x47: {  	[sflag:s1] =	ssyncset.done $0x0  }
0x48: {  	s19 =	simm.s32 $0x27D0;
	[sflag:s1] =	ssyncadd.s32 $0xFFFFEC00  }
0x49: {  	[spmem:s2] =	stream.indirect.scatter.add.f32 [tilespmem:s26], [sflag:$0x7], $0x80, s19, s20, $0xb8;
	[tilespmem:$0x1E1F8] =	vst v63  }
0x4a: {  	_ = 	snop  }
0x4b: {  	[spmem:s3] =	stream.indirect.scatter.add.f32 [tilespmem:s17], [sflag:$0xB], $0x1, s19, s20, $0xb8;
	[tilespmem:$0x1E1F8] =	vst v63  }
0x4c: {  	_ =	swait.ge [sflag:s30], $0x1400  }
0x4d: {  	[sflag:s30] =	ssyncset.done $0x0  }
0x4e: {  	[sflag:s30] =	ssyncadd.s32 $0xFFFFEC00  }
0x4f: {  	_ =	swait.ge [sflag:s5], $0x28  }
0x50: {  	[sflag:s5] =	ssyncset.done $0x0  }
0x51: {  	s23 =	simm.s32 $0xA0;
	[sflag:s5] =	ssyncadd.s32 $0xFFFFFFD8  }
0x52: {  	[tilespmem:s21], [sflag:$0x1] =	stream.indirect.gather [hbm4b:s0+s20], $0x80, s23, s20, $0xb8;
	[tilespmem:$0x1E1F8] =	vst v63  }
0x53: {  	_ =	swait.ge [sflag:s6], $0x1400  }
0x54: {  	[sflag:s6] =	ssyncset.done $0x0  }
0x55: {  	s29 =	simm.s32 $0x27F8;
	[sflag:s6] =	ssyncadd.s32 $0xFFFFEC00  }
0x56: {  	[spmem:s2] =	stream.indirect.scatter.add.f32 [tilespmem:s31], [sflag:$0x8], $0x80, s29, s20, $0xb8;
	[tilespmem:$0x1E1F8] =	vst v63  }
0x57: {  	_ = 	snop  }
0x58: {  	[spmem:s3] =	stream.indirect.scatter.add.f32 [tilespmem:s17], [sflag:$0xC], $0x1, s29, s20, $0xb8;
	[tilespmem:$0x1E1F8] =	vst v63  }
0x59: {  	_ =	swait.ge [sflag:s9], $0x1400  }
0x5a: {  	[sflag:s9] =	ssyncset.done $0x0  }
0x5b: {  	[sflag:s9] =	ssyncadd.s32 $0xFFFFEC00  }
0x5c: {  	_ =	swait.ge [sflag:s10], $0x28  }
0x5d: {  	[sflag:s10] =	ssyncset.done $0x0  }
0x5e: {  	s8 =	simm.s32 $0xC8;
	[sflag:s10] =	ssyncadd.s32 $0xFFFFFFD8  }
0x5f: {  	[tilespmem:s22], [sflag:$0x2] =	stream.indirect.gather [hbm4b:s0+s20], $0x80, s8, s20, $0xb8;
	[tilespmem:$0x1E1F8] =	vst v63  }
0x60: {  	_ =	swait.ge [sflag:s24], $0x1400  }
0x61: {  	[sflag:s24] =	ssyncset.done $0x0  }
0x62: {  	s19 =	simm.s32 $0x2820;
	[sflag:s24] =	ssyncadd.s32 $0xFFFFEC00  }
0x63: {  	[spmem:s2] =	stream.indirect.scatter.add.f32 [tilespmem:s21], [sflag:$0x5], $0x80, s19, s20, $0xb8;
	[tilespmem:$0x1E1F8] =	vst v63  }
0x64: {  	_ = 	snop  }
0x65: {  	[spmem:s3] =	stream.indirect.scatter.add.f32 [tilespmem:s17], [sflag:$0x9], $0x1, s19, s20, $0xb8;
	[tilespmem:$0x1E1F8] =	vst v63  }
0x66: {  	_ =	swait.ge [sflag:s11], $0x1400  }
0x67: {  	[sflag:s11] =	ssyncset.done $0x0  }
0x68: {  	[sflag:s11] =	ssyncadd.s32 $0xFFFFEC00  }
0x69: {  	_ =	swait.ge [sflag:s12], $0x28  }
0x6a: {  	[sflag:s12] =	ssyncset.done $0x0  }
0x6b: {  	s23 =	simm.s32 $0xF0;
	[sflag:s12] =	ssyncadd.s32 $0xFFFFFFD8  }
0x6c: {  	[tilespmem:s26], [sflag:$0x3] =	stream.indirect.gather [hbm4b:s0+s20], $0x80, s23, s20, $0xb8;
	[tilespmem:$0x1E1F8] =	vst v63  }
0x6d: {  	_ =	swait.ge [sflag:s28], $0x1400  }
0x6e: {  	[sflag:s28] =	ssyncset.done $0x0  }
0x6f: {  	s29 =	simm.s32 $0x2848;
	[sflag:s28] =	ssyncadd.s32 $0xFFFFEC00  }
0x70: {  	[spmem:s2] =	stream.indirect.scatter.add.f32 [tilespmem:s22], [sflag:$0x6], $0x80, s29, s20, $0xb8;
	[tilespmem:$0x1E1F8] =	vst v63  }
0x71: {  	_ = 	snop  }
0x72: {  	[spmem:s3] =	stream.indirect.scatter.add.f32 [tilespmem:s17], [sflag:$0xA], $0x1, s29, s20, $0xb8;
	[tilespmem:$0x1E1F8] =	vst v63  }
0x73: {  	_ =	swait.ge [sflag:s13], $0x1400  }
0x74: {  	[sflag:s13] =	ssyncset.done $0x0  }
0x75: {  	[sflag:s13] =	ssyncadd.s32 $0xFFFFEC00  }
0x76: {  	_ =	swait.ge [sflag:s14], $0x28  }
0x77: {  	[sflag:s14] =	ssyncset.done $0x0  }
0x78: {  	s8 =	simm.s32 $0x118;
	[sflag:s14] =	ssyncadd.s32 $0xFFFFFFD8  }
0x79: {  	[tilespmem:s31], [sflag:$0x4] =	stream.indirect.gather [hbm4b:s0+s20], $0x80, s8, s20, $0xb8;
	[tilespmem:$0x1E1F8] =	vst v63  }
0x7a: {  	_ =	swait.ge [sflag:s1], $0x1400  }
0x7b: {  	[sflag:s1] =	ssyncset.done $0x0  }
0x7c: {  	s19 =	simm.s32 $0x2870;
	[sflag:s1] =	ssyncadd.s32 $0xFFFFEC00  }
0x7d: {  	[spmem:s2] =	stream.indirect.scatter.add.f32 [tilespmem:s26], [sflag:$0x7], $0x80, s19, s20, $0xb8;
	[tilespmem:$0x1E1F8] =	vst v63  }
0x7e: {  	_ = 	snop  }
0x7f: {  	[spmem:s3] =	stream.indirect.scatter.add.f32 [tilespmem:s17], [sflag:$0xB], $0x1, s19, s20, $0xb8;
	[tilespmem:$0x1E1F8] =	vst v63  }
0x80: {  	_ =	swait.ge [sflag:s30], $0x1400  }
0x81: {  	[sflag:s30] =	ssyncset.done $0x0  }
0x82: {  	[sflag:s30] =	ssyncadd.s32 $0xFFFFEC00  }
0x83: {  	_ =	swait.ge [sflag:s5], $0x28  }
0x84: {  	[sflag:s5] =	ssyncset.done $0x0  }
0x85: {  	s23 =	simm.s32 $0x140;
	[sflag:s5] =	ssyncadd.s32 $0xFFFFFFD8  }
0x86: {  	[tilespmem:s21], [sflag:$0x1] =	stream.indirect.gather [hbm4b:s0+s20], $0x80, s23, s20, $0xb8;
	[tilespmem:$0x1E1F8] =	vst v63  }
0x87: {  	_ =	swait.ge [sflag:s6], $0x1400  }
0x88: {  	[sflag:s6] =	ssyncset.done $0x0  }
0x89: {  	s29 =	simm.s32 $0x2898;
	[sflag:s6] =	ssyncadd.s32 $0xFFFFEC00  }
0x8a: {  	[spmem:s2] =	stream.indirect.scatter.add.f32 [tilespmem:s31], [sflag:$0x8], $0x80, s29, s20, $0xb8;
	[tilespmem:$0x1E1F8] =	vst v63  }
0x8b: {  	_ = 	snop  }
0x8c: {  	[spmem:s3] =	stream.indirect.scatter.add.f32 [tilespmem:s17], [sflag:$0xC], $0x1, s29, s20, $0xb8;
	[tilespmem:$0x1E1F8] =	vst v63  }
0x8d: {  	_ =	swait.ge [sflag:s9], $0x1400  }
0x8e: {  	[sflag:s9] =	ssyncset.done $0x0  }
0x8f: {  	[sflag:s9] =	ssyncadd.s32 $0xFFFFEC00  }
0x90: {  	_ =	swait.ge [sflag:s10], $0x28  }
0x91: {  	[sflag:s10] =	ssyncset.done $0x0  }
0x92: {  	s7 =	simm.s32 $0x280;
	s8 =	simm.s32 $0x168;
	[sflag:s10] =	ssyncadd.s32 $0xFFFFFFD8  }
.LBB2_2:
0x93: {  	[tilespmem:s22], [sflag:$0x2] =	stream.indirect.gather [hbm4b:s0+s20], $0x80, s8, s20, $0xb8;
	[tilespmem:$0x1E1F8] =	vst v63  }
0x94: {  	s8 =	smov.u32 s7  }
0x95: {  	p1 =	sne.s32 s7, $0x9600;
	s7 =	sadd.s32 $0x280, s7;
	_ =	swait.ge [sflag:s24], $0x1400  }
0x96: {  	s8 =	sshra.s32 s8, $0x2;
	[sflag:s24] =	ssyncset.done $0x0  }
0x97: {  	s29 =	sadd.s32 $0x2820, s8;
	[sflag:s24] =	ssyncadd.s32 $0xFFFFEC00  }
0x98: {  	[spmem:s2] =	stream.indirect.scatter.add.f32 [tilespmem:s21], [sflag:$0x5], $0x80, s29, s20, $0xb8;
	[tilespmem:$0x1E1F8] =	vst v63  }
0x99: {  	_ = 	snop  }
0x9a: {  	[spmem:s3] =	stream.indirect.scatter.add.f32 [tilespmem:s17], [sflag:$0x9], $0x1, s29, s20, $0xb8;
	[tilespmem:$0x1E1F8] =	vst v63  }
0x9b: {  	_ =	swait.ge [sflag:s11], $0x1400  }
0x9c: {  	[sflag:s11] =	ssyncset.done $0x0  }
0x9d: {  	[sflag:s11] =	ssyncadd.s32 $0xFFFFEC00  }
0x9e: {  	_ =	swait.ge [sflag:s12], $0x28  }
0x9f: {  	[sflag:s12] =	ssyncset.done $0x0  }
0xa0: {  	s29 =	sadd.s32 $0xF0, s8;
	[sflag:s12] =	ssyncadd.s32 $0xFFFFFFD8  }
0xa1: {  	[tilespmem:s26], [sflag:$0x3] =	stream.indirect.gather [hbm4b:s0+s20], $0x80, s29, s20, $0xb8;
	[tilespmem:$0x1E1F8] =	vst v63  }
0xa2: {  	_ =	swait.ge [sflag:s28], $0x1400  }
0xa3: {  	[sflag:s28] =	ssyncset.done $0x0  }
0xa4: {  	s29 =	sadd.s32 $0x2848, s8;
	[sflag:s28] =	ssyncadd.s32 $0xFFFFEC00  }
0xa5: {  	[spmem:s2] =	stream.indirect.scatter.add.f32 [tilespmem:s22], [sflag:$0x6], $0x80, s29, s20, $0xb8;
	[tilespmem:$0x1E1F8] =	vst v63  }
0xa6: {  	_ = 	snop  }
0xa7: {  	[spmem:s3] =	stream.indirect.scatter.add.f32 [tilespmem:s17], [sflag:$0xA], $0x1, s29, s20, $0xb8;
	[tilespmem:$0x1E1F8] =	vst v63  }
0xa8: {  	_ =	swait.ge [sflag:s13], $0x1400  }
0xa9: {  	[sflag:s13] =	ssyncset.done $0x0  }
0xaa: {  	[sflag:s13] =	ssyncadd.s32 $0xFFFFEC00  }
0xab: {  	_ =	swait.ge [sflag:s14], $0x28  }
0xac: {  	[sflag:s14] =	ssyncset.done $0x0  }
0xad: {  	s29 =	sadd.s32 $0x118, s8;
	[sflag:s14] =	ssyncadd.s32 $0xFFFFFFD8  }
0xae: {  	[tilespmem:s31], [sflag:$0x4] =	stream.indirect.gather [hbm4b:s0+s20], $0x80, s29, s20, $0xb8;
	[tilespmem:$0x1E1F8] =	vst v63  }
0xaf: {  	_ =	swait.ge [sflag:s1], $0x1400  }
0xb0: {  	[sflag:s1] =	ssyncset.done $0x0  }
0xb1: {  	s29 =	sadd.s32 $0x2870, s8;
	[sflag:s1] =	ssyncadd.s32 $0xFFFFEC00  }
0xb2: {  	[spmem:s2] =	stream.indirect.scatter.add.f32 [tilespmem:s26], [sflag:$0x7], $0x80, s29, s20, $0xb8;
	[tilespmem:$0x1E1F8] =	vst v63  }
0xb3: {  	_ = 	snop  }
0xb4: {  	[spmem:s3] =	stream.indirect.scatter.add.f32 [tilespmem:s17], [sflag:$0xB], $0x1, s29, s20, $0xb8;
	[tilespmem:$0x1E1F8] =	vst v63  }
0xb5: {  	_ =	swait.ge [sflag:s30], $0x1400  }
0xb6: {  	[sflag:s30] =	ssyncset.done $0x0  }
0xb7: {  	[sflag:s30] =	ssyncadd.s32 $0xFFFFEC00  }
0xb8: {  	_ =	swait.ge [sflag:s5], $0x28  }
0xb9: {  	[sflag:s5] =	ssyncset.done $0x0  }
0xba: {  	s29 =	sadd.s32 $0x140, s8;
	[sflag:s5] =	ssyncadd.s32 $0xFFFFFFD8  }
0xbb: {  	[tilespmem:s21], [sflag:$0x1] =	stream.indirect.gather [hbm4b:s0+s20], $0x80, s29, s20, $0xb8;
	[tilespmem:$0x1E1F8] =	vst v63  }
0xbc: {  	_ =	swait.ge [sflag:s6], $0x1400  }
0xbd: {  	[sflag:s6] =	ssyncset.done $0x0  }
0xbe: {  	s29 =	sadd.s32 $0x2898, s8;
	[sflag:s6] =	ssyncadd.s32 $0xFFFFEC00  }
0xbf: {  	[spmem:s2] =	stream.indirect.scatter.add.f32 [tilespmem:s31], [sflag:$0x8], $0x80, s29, s20, $0xb8;
	[tilespmem:$0x1E1F8] =	vst v63  }
0xc0: {  	_ = 	snop  }
0xc1: {  	[spmem:s3] =	stream.indirect.scatter.add.f32 [tilespmem:s17], [sflag:$0xC], $0x1, s29, s20, $0xb8;
	[tilespmem:$0x1E1F8] =	vst v63  }
0xc2: {  	_ =	swait.ge [sflag:s9], $0x1400  }
.Ltmp0:
0xc3: {  	[sflag:s9] =	ssyncset.done $0x0;
	(pc) =	sbr.rel @p1 .LBB2_2-.Ltmp0, $4  }
0xc4: {  	[sflag:s9] =	ssyncadd.s32 $0xFFFFEC00  }
0xc5: {  	_ =	swait.ge [sflag:s10], $0x28  }
0xc6: {  	[sflag:s10] =	ssyncset.done $0x0  }
0xc7: {  	s8 =	sadd.s32 $0x168, s8;
	[sflag:s10] =	ssyncadd.s32 $0xFFFFFFD8  }
0xc8: {  	[tilespmem:s22], [sflag:$0x2] =	stream.indirect.gather [hbm4b:s0+s20], $0x80, s8, s20, $0xb8;
	[tilespmem:$0x1E1F8] =	vst v63  }
0xc9: {  	_ =	swait.ge [sflag:s24], $0x1400  }
0xca: {  	[sflag:s24] =	ssyncset.done $0x0  }
0xcb: {  	s7 =	simm.s32 $0x4E40;
	[sflag:s24] =	ssyncadd.s32 $0xFFFFEC00  }
0xcc: {  	[spmem:s2] =	stream.indirect.scatter.add.f32 [tilespmem:s21], [sflag:$0x5], $0x80, s7, s20, $0xb8;
	[tilespmem:$0x1E1F8] =	vst v63  }
0xcd: {  	_ = 	snop  }
0xce: {  	[spmem:s3] =	stream.indirect.scatter.add.f32 [tilespmem:s17], [sflag:$0x9], $0x1, s7, s20, $0xb8;
	[tilespmem:$0x1E1F8] =	vst v63  }
0xcf: {  	_ =	swait.ge [sflag:s11], $0x1400  }
0xd0: {  	[sflag:s11] =	ssyncset.done $0x0  }
0xd1: {  	[sflag:s11] =	ssyncadd.s32 $0xFFFFEC00  }
0xd2: {  	_ =	swait.ge [sflag:s12], $0x28  }
0xd3: {  	[sflag:s12] =	ssyncset.done $0x0  }
0xd4: {  	[sflag:s12] =	ssyncadd.s32 $0xFFFFFFD8  }
0xd5: {  	_ =	swait.ge [sflag:s28], $0x1400  }
0xd6: {  	[sflag:s28] =	ssyncset.done $0x0  }
0xd7: {  	s8 =	simm.s32 $0x4E68;
	[sflag:s28] =	ssyncadd.s32 $0xFFFFEC00  }
0xd8: {  	[spmem:s2] =	stream.indirect.scatter.add.f32 [tilespmem:s22], [sflag:$0x6], $0x80, s8, s20, $0xb8;
	[tilespmem:$0x1E1F8] =	vst v63  }
0xd9: {  	_ = 	snop  }
0xda: {  	[spmem:s3] =	stream.indirect.scatter.add.f32 [tilespmem:s17], [sflag:$0xA], $0x1, s8, s20, $0xb8;
	[tilespmem:$0x1E1F8] =	vst v63  }
0xdb: {  	_ =	swait.ge [sflag:s13], $0x1400  }
0xdc: {  	[sflag:s13] =	ssyncset.done $0x0  }
0xdd: {  	[sflag:s13] =	ssyncadd.s32 $0xFFFFEC00  }
0xde: {  	_ =	swait.ge [sflag:s14], $0x28  }
0xdf: {  	[sflag:s14] =	ssyncset.done $0x0  }
0xe0: {  	[sflag:s14] =	ssyncadd.s32 $0xFFFFFFD8  }
0xe1: {  	_ =	swait.ge [sflag:s30], $0x1400  }
0xe2: {  	[sflag:s30] =	ssyncset.done $0x0  }
0xe3: {  	[sflag:s30] =	ssyncadd.s32 $0xFFFFEC00  }
0xe4: {  	_ =	swait.ge [sflag:s5], $0x28  }
0xe5: {  	[sflag:s5] =	ssyncset.done $0x0  }
0xe6: {  	[sflag:s5] =	ssyncadd.s32 $0xFFFFFFD8  }
0xe7: {  	_ =	swait.ge [sflag:s9], $0x1400  }
0xe8: {  	[sflag:s9] =	ssyncset.done $0x0  }
0xe9: {  	[sflag:s9] =	ssyncadd.s32 $0xFFFFEC00  }
0xea: {  	_ =	swait.ge [sflag:s10], $0x28  }
0xeb: {  	[sflag:s10] =	ssyncset.done $0x0  }
0xec: {  	[sflag:s10] =	ssyncadd.s32 $0xFFFFFFD8  }
0xed: {  	[bflag:$0x0] =	sbarrier.arrive $0xFFFF  }
0xee: {  	s19 =	rddreg [dreg:$0x9]  }
0xef: {  	s23 =	rddreg [dreg:$0xd];
	s7 =	sor.u32 $0x1C0E, s19  }
0xf0: {  	[hbm:s23], [sflag:s7] =	dma.local [spmem:s15], $0x2800  }
0xf1: {  	_ =	swait.ge [sflag:s18], $0x2800  }
0xf2: {  	s29 =	simm.s32 @!p0 $0x20;
	s8 =	simm.s32 @!p0 $0x1;
	[sflag:s18] =	ssyncset.done $0x0  }
0xf3: {  	s19 =	simm.s32 @!p0 $0x10;
	s23 =	rddreg [dreg:$0xe];
	[sflag:s18] =	ssyncadd.s32 $0xFFFFD800  }
0xf4: {  	[hbm:s23@s29], [sflag:s7] =	dma.strided @!p0 [spmem:s16@s19], $0x4F0, s8, $0x10   }
0xf5: {  	s7 =	simm.s32 @!p0 $0xE  }
0xf6: {  	_ =	swait.ge @!p0 [sflag:s7], $0x4F0  }
0xf7: {  	s25 =	sadd.s32 $0x1, s25;
	s29 =	rddreg [dreg:$0xf]  }
0xf8: {  	p1 =	sne.s32 s25, s29  }
.Ltmp1:
0xf9: {  	_ = 	snop;
	(pc) =	sbr.rel @p1 .LBB2_1-.Ltmp1, $3  }
0xfa: {  	_ =	sdelay $0x1  }
0xfb: {  	[sflag:s7] =	ssyncset.done @!p0 $0x0  }
0xfc: {  	[sflag:s7] =	ssyncadd.s32 @!p0 $0xFFFFFB10  }
0xfd: {  	_ =	sfence.sel $0x180000  }
0xfe: {  	[bflag:$0x0] =	sbarrier.arrive $0xFFFF  }
0xff: {  	_ =	strace $0x90000047  }
0x100: {  	[bflag:$0x2] =	sbarrier.arrive $0xFFFF  }
0x101: {  	s0 =	rddreg [dreg:$0x5]  }
0x102: {  	s0 =	sadd.s32 @!p0 $0x100000, s0  }
0x103: {  	[sflag:s0] =	ssyncadd.tile.s32 @!p0 $0x1;
	_ =	shalt  }
.Lfunc_end2:
_tile_overlayer_lowered:
.L_overlay_start_2:
0x104: {  	(tag) =	ssettag $0x2  }
0x105: {  	s0 =	rddreg [dreg:$0x0];
	s2 =	stileid.u32  }
0x106: {  	s1 =	rddreg [dreg:$0x1];
	p0 =	sne.s32 s2, $0x0  }
0x107: {  	s3 =	rddreg [dreg:$0x2];
	[bflag:$0x3] =	sbarrier.arrive $0xFFFF;
	s2 =	simm.s32 @!p0 $0x1C0E  }
0x108: {  	[timem:s3], [sflag:s2] =	dma.local @!p0 [hbm:s0], s1  }
0x109: {  	s0 =	simm.s32 @!p0 $0xE  }
0x10a: {  	_ =	swait.ge @!p0 [sflag:s0], s1  }
0x10b: {  	s1 =	ssub.s32 @!p0 $0x0, s1;
	[sflag:s0] =	ssyncset.done @!p0 $0x0  }
0x10c: {  	[sflag:s0] =	ssyncadd.s32 @!p0 s1  }
0x10d: {  	[bflag:$0x3] =	sbarrier.arrive $0xFFFF  }
0x10e: {  	_ =	shalt  }

// kernel: kernel.9.cloned.1.call-start
scs
__scs_entry_jumppad:
0x0: {  	(pc) =	sbr.rel $0x88, $3  }
0x1: {  	(tag) =	ssettag $0x0;
	lr =	simm.s32 $0x1  }
0x2: {  	[smem:$0x3F99] =	sst lr;
	_ =	strace $0xD0000000  }
0x3: {  	_ = 	snop  }
0x4: {  	_ = 	snop  }
0x5: {  	_ = 	snop  }
0x6: {  	_ = 	snop  }
0x7: {  	_ = 	snop  }
__scs_overlays_trampoline_lowered:
0x8: {  	[smem:$0x3FA8] =	sst s0  }
0x9: {  	[smem:$0x3FA9] =	sst s1  }
0xa: {  	[smem:$0x3FAA] =	sst s2  }
0xb: {  	[smem:$0x3FAB] =	sst s3  }
0xc: {  	[smem:$0x3FAC] =	sst s4  }
0xd: {  	[smem:$0x3FAD] =	sst s5  }
0xe: {  	[smem:$0x3FAE] =	sst s6  }
0xf: {  	[smem:$0x3FAF] =	sst s7  }
0x10: {  	[smem:$0x3FB0] =	sst s8  }
0x11: {  	[smem:$0x3FB1] =	sst s9;
	s0 =	simm.s32 @!p0 $0x0  }
0x12: {  	s1 =	sld [smem:$0x3F97];
	s0 =	simm.s32 @p0 $0x1  }
0x13: {  	[smem:$0x3FB2] =	sst s0;
	s0 =	simm.s32 @!p1 $0x0  }
0x14: {  	s2 =	sld [smem:$0x3F96];
	s0 =	simm.s32 @p1 $0x1  }
0x15: {  	[smem:$0x3FB3] =	sst s0;
	s0 =	simm.s32 @!p2 $0x0  }
0x16: {  	s3 =	sld [smem:$0x3FDB];
	s0 =	simm.s32 @p2 $0x1  }
0x17: {  	s4 =	simm.s32 $0x1BF5;
	[smem:$0x3FB5] =	sst s0  }
0x18: {  	s0 =	sld [smem:$0x3F98];
	_ =	swait.ge [sflag:s4], $0x0  }
0x19: {  	s7 =	sld [smem:$0x3F99]  }
0x1a: {  	s8 =	sadd.s32 $0xFFFFE003, lr  }
0x1b: {  	s9 =	sadd.s32 $0xFFFFFEF7, lr;
	s5 =	simm.s32 $0xFFFFFFFF;
	p2 =	slt.u32 s8, $0xFFFFF086  }
0x1c: {  	p1 =	slt.u32 s9, $0xF7A;
	s5 =	simm.s32 @!p2 $0x0  }
0x1d: {  	s5 =	simm.s32 @p1 $0x1;
	p0 =	seq.s32 s7, s2  }
0x1e: {  	s7 =	smul.u32 @!p0 $0xF7A, s2;
	p2 =	seq.s32 @!p0 s5, $0x0  }
0x1f: {  	s9 =	smul.u32 $0xF7A, s1;
	s8 =	simm.s32 @!p0 $0x1BF5;
	p2 =	por !p2, p0  }
0x20: {  	[sflag:s8] =	ssyncset.s32 @!p0 $0xFFFFF086;
	s6 =	sadd.s32 @!p0 s3, s7;
	s7 =	simm.s32 @!p0 $0x108  }
0x21: {  	s3 =	sadd.s32 s3, s9;
	s6 =	sadd.s32 @!p0 $0x88, s6;
	s7 =	simm.s32 @p2 $0x1082  }
0x22: {  	[simem:s7], [sflag:s8] =	dma.local @!p0 [hbm:s6], $0xF7A  }
0x23: {  	s9 =	sor.u32 $0xD0000000, s2;
	s6 =	simm.s32 $0x108;
	_ =	swait.ge @!p0 [sflag:s8], $0x0  }
0x24: {  	s3 =	sadd.s32 $0x88, s3;
	s6 =	simm.s32 @!p1 $0x1082;
	[sflag:s4] =	ssyncset.s32 $0xFFFFF086  }
0x25: {  	[simem:s6], [sflag:s4] =	dma.local [hbm:s3], $0xF7A  }
0x26: {  	[smem:$0x3F99] =	sst s1;
	(tag) =	ssettag s2;
	_ =	strace s9  }
0x27: {  	s1 =	sld [smem:$0x3FA9]  }
0x28: {  	s2 =	sld [smem:$0x3FAA]  }
0x29: {  	s4 =	sld [smem:$0x3FAC]  }
0x2a: {  	p0 =	seq.s32 s5, $0x0;
	s5 =	sld [smem:$0x3FAD]  }
0x2b: {  	s6 =	sld [smem:$0x3FAE]  }
0x2c: {  	s7 =	sld [smem:$0x3FAF]  }
0x2d: {  	s3 =	simm.s32 $0x108;
	s8 =	sld [smem:$0x3FB0]  }
0x2e: {  	s3 =	simm.s32 @!p0 $0x1082;
	s9 =	sld [smem:$0x3FB1]  }
0x2f: {  	lr =	sadd.s32 s0, s3;
	s0 =	sld [smem:$0x3FA8]  }
0x30: {  	s3 =	sld [smem:$0x3FAB]  }
0x31: {  	[smem:$0x3FB4] =	sst s10  }
0x32: {  	s10 =	sld [smem:$0x3FB2];
	_ =	sdelay $0x3  }
0x33: {  	p0 =	seq.s32 s10, $0x1;
	s10 =	sld [smem:$0x3FB4];
	_ =	sdelay $0x3  }
0x34: {  	[smem:$0x3FB4] =	sst s10  }
0x35: {  	s10 =	sld [smem:$0x3FB3];
	_ =	sdelay $0x3  }
0x36: {  	p1 =	seq.s32 s10, $0x1;
	s10 =	sld [smem:$0x3FB4];
	_ =	sdelay $0x3  }
0x37: {  	[smem:$0x3FB4] =	sst s10  }
0x38: {  	s10 =	sld [smem:$0x3FB5]  }
0x39: {  	_ = 	snop;
	(pc) =	sbr.ind lr, $3  }
0x3a: {  	_ = 	snop  }
0x3b: {  	_ = 	snop  }
0x3c: {  	p2 =	seq.s32 s10, $0x1;
	s10 =	sld [smem:$0x3FB4]  }
0x3d: {  	_ =	shalt  }
0x3e: {  	_ =	shalt  }
0x3f: {  	_ =	shalt  }
0x40: {  	_ =	shalt  }
0x41: {  	_ =	shalt  }
0x42: {  	_ =	shalt  }
0x43: {  	_ =	shalt  }
0x44: {  	_ =	shalt  }
0x45: {  	_ =	shalt  }
0x46: {  	_ =	shalt  }
0x47: {  	_ =	shalt  }
0x48: {  	_ =	shalt  }
0x49: {  	_ =	shalt  }
0x4a: {  	_ =	shalt  }
0x4b: {  	_ =	shalt  }
0x4c: {  	_ =	shalt  }
0x4d: {  	_ =	shalt  }
0x4e: {  	_ =	shalt  }
0x4f: {  	_ =	shalt  }
0x50: {  	_ =	shalt  }
0x51: {  	_ =	shalt  }
0x52: {  	_ =	shalt  }
0x53: {  	_ =	shalt  }
0x54: {  	_ =	shalt  }
0x55: {  	_ =	shalt  }
0x56: {  	_ =	shalt  }
0x57: {  	_ =	shalt  }
0x58: {  	_ =	shalt  }
0x59: {  	_ =	shalt  }
0x5a: {  	_ =	shalt  }
0x5b: {  	_ =	shalt  }
0x5c: {  	_ =	shalt  }
0x5d: {  	_ =	shalt  }
0x5e: {  	_ =	shalt  }
0x5f: {  	_ =	shalt  }
0x60: {  	_ =	shalt  }
0x61: {  	_ =	shalt  }
0x62: {  	_ =	shalt  }
0x63: {  	_ =	shalt  }
0x64: {  	_ =	shalt  }
0x65: {  	_ =	shalt  }
0x66: {  	_ =	shalt  }
0x67: {  	_ =	shalt  }
0x68: {  	_ =	shalt  }
0x69: {  	_ =	shalt  }
0x6a: {  	_ =	shalt  }
0x6b: {  	_ =	shalt  }
0x6c: {  	_ =	shalt  }
0x6d: {  	_ =	shalt  }
0x6e: {  	_ =	shalt  }
0x6f: {  	_ =	shalt  }
0x70: {  	_ =	shalt  }
0x71: {  	_ =	shalt  }
0x72: {  	_ =	shalt  }
0x73: {  	_ =	shalt  }
0x74: {  	_ =	shalt  }
0x75: {  	_ =	shalt  }
0x76: {  	_ =	shalt  }
0x77: {  	_ =	shalt  }
0x78: {  	_ =	shalt  }
0x79: {  	_ =	shalt  }
0x7a: {  	_ =	shalt  }
0x7b: {  	_ =	shalt  }
0x7c: {  	_ =	shalt  }
0x7d: {  	_ =	shalt  }
0x7e: {  	_ =	shalt  }
0x7f: {  	_ =	shalt  }
0x80: {  	_ =	shalt  }
0x81: {  	_ =	shalt  }
0x82: {  	_ =	shalt  }
0x83: {  	_ =	shalt  }
0x84: {  	_ =	shalt  }
0x85: {  	_ =	shalt  }
0x86: {  	_ =	shalt  }
0x87: {  	_ =	shalt  }
.Lfunc_end0:
.L_simem_size_0:
called_computation.1_lowered:
.L_overlay_start_0:
0x88: {  	s2 =	sld [smem:$0x3FD9]  }
0x89: {  	s3 =	sld [smem:$0x3FFE];
	_ =	sdelay $0x1  }
0x8a: {  	s1 =	srdreg.scid  }
0x8b: {  	s0 =	sand.u32 $0x1, s1  }
0x8c: {  	s17 =	sshll.u32 s0, $0xA;
	s2 =	sadd.s32 s3, s2  }
0x8d: {  	s2 =	sadd.s32 s2, s17  }
0x8e: {  	[smem:$0x3FC0] =	sst s2  }
0x8f: {  	_ = 	snop  }
0x90: {  	s2 =	sld [smem:$0x3FD0];
	(tm) =	ssettm $0x1  }
0x91: {  	s18 =	sld [smem:$0x3FFB];
	_ =	sdelay $0x3  }
0x92: {  	_ =	strace s18  }
0x93: {  	s3 =	sld [smem:$0x3FFC];
	_ =	sdelay $0x3  }
0x94: {  	_ =	strace s3  }
0x95: {  	s3 =	sld [smem:$0x3FFD];
	_ =	sdelay $0x3  }
0x96: {  	_ =	strace s3  }
0x97: {  	_ =	strace $0x8FFFFFFF  }
0x98: {  	s19 =	sld [smem:$0x3FDB];
	_ =	sdelay $0x1  }
0x99: {  	s4 =	simm.s32 $_scs_section_size  }
0x9a: {  	s5 =	simm.s32 $_size__tile_overlayer_lowered;
	s6 =	simm.s32 $_tile_overlayer_lowered  }
0x9b: {  	s22 =	simm.s32 $0x1BFF;
	s21 =	sshll.u32 s6, $0x1;
	s3 =	sadd.s32 s4, s19  }
0x9c: {  	s7 =	simm.s32 $0x0;
	s20 =	sshll.u32 s5, $0x1;
	s5 =	sadd.s32 s21, s3  }
0x9d: {  	[timem:s7], [sflag:s22] =	dma.local [hbm:s5], s20  }
0x9e: {  	_ =	swait.ge [sflag:s22], s20  }
0x9f: {  	s4 =	ssub.s32 $0x0, s20;
	[sflag:s22] =	ssyncset.done $0x0  }
0xa0: {  	[sflag:s22] =	ssyncadd.s32 s4;
	_ =	sdelay $0x1  }
0xa1: {  	s23 =	simm.s32 $0x1B8B  }
0xa2: {  	_ =	swait.ge [sflag:s23], $0x1  }
0xa3: {  	[sflag:s23] =	ssyncset.done $0x0  }
0xa4: {  	s25 =	simm.s32 $0x1B8E;
	s24 =	sld [smem:$0x3FFE];
	[sflag:s23] =	ssyncadd.s32 $0xFFFFFFFF  }
0xa5: {  	s26 =	simm.s32 $execute0_lowered;
	[smem:$0x3FD2] =	sst s25  }
0xa6: {  	s5 =	sshll.u32 s26, $0x1;
	_ =	strace $0x80000049;
	[dreg:$0x1] =	wrdreg $0xFFFFFFFF  }
0xa7: {  	s28 =	simm.s32 $_size_execute0_lowered;
	s3 =	sadd.s32 s3, s5;
	[dreg:$0x0] =	wrdreg $0x0  }
0xa8: {  	s5 =	sshll.u32 s28, $0x1;
	[dreg:$0x2] =	wrdreg s3  }
0xa9: {  	[dreg:$0x3] =	wrdreg s5  }
0xaa: {  	[dreg:$0x4] =	wrdreg $0xC0  }
0xab: {  	_ =	task [dreg:s7], $0x5FFFF  }
0xac: {  	[dreg:$0x1] =	wrdreg $0xFFFFFFFF  }
0xad: {  	[dreg:$0x0] =	wrdreg $0x60  }
0xae: {  	[dreg:$0x2] =	wrdreg s2  }
0xaf: {  	[dreg:$0x3] =	wrdreg s24  }
0xb0: {  	[dreg:$0x4] =	wrdreg $0x9F000  }
0xb1: {  	[dreg:$0x5] =	wrdreg $0x9  }
0xb2: {  	_ =	task.clear_ibuf [dreg:s7], $0x6FFFF;
	_ =	strace $0x90000049  }
0xb3: {  	s29 =	simm.s32 $0x9;
	_ =	strace $0x8000004B  }
0xb4: {  	_ =	swait.ge [sflag:s29], $0x1  }
0xb5: {  	[sflag:s29] =	ssyncadd.s32 $0xFFFFFFFF  }
0xb6: {  	_ =	strace $0x9000004B  }
0xb7: {  	_ =	sfence  }
0xb8: {  	s30 =	sld [smem:$0x0];
	_ =	sdelay $0x2  }
0xb9: {  	s31 =	sshll.u32 s1, $0xD;
	s1 =	sshrl.u32 s1, $0x2  }
0xba: {  	s3 =	sand.u32 $0x4000, s31;
	s1 =	sadd.s32 s1, s30  }
0xbb: {  	s0 =	sor.u32 s3, s0;
	s1 =	sshll.u32 s1, $0x11  }
0xbc: {  	s0 =	sor.u32 s1, s0  }
0xbd: {  	s0 =	sadd.s32 $0x8F2B, s0  }
0xbe: {  	[sflag:s0] =	ssyncadd.remote.s32 $0x1  }
0xbf: {  	_ =	sfence.sel $0xFFFF  }
0xc0: {  	[dreg:$0x0] =	wrdreg $0xFFFFFFFF;
	(pc) =	sbr.abs _section_cstart, $3  }
0xc1: {  	[dreg:$0x1] =	wrdreg $0xFFFFFFFF  }
0xc2: {  	_ =	task.clear_ibuf [dreg:s7], $0x2FFFF;
	_ =	strace $0x9FFFFFFF  }
0xc3: {  	(tm) =	ssettm $0x7FFFFFFF  }
tec
execute0_lowered:
.L_overlay_start_1:
0x0: {  	(tag) =	ssettag $0x1  }
0x1: {  	s0 =	srdreg.scid;
	s2 =	rddreg [dreg:$0x0]  }
0x2: {  	s9 =	stileid.u32;
	s6 =	rddreg [dreg:$0x1]  }
0x3: {  	s3 =	rddreg [dreg:$0x2];
	s4 =	simm.s32 $0x0;
	s13 =	simm.s32 $0xA  }
0x4: {  	s14 =	simm.s32 $0x2780;
	s15 =	simm.s32 $0x28;
	s16 =	simm.s32 $0x4F00  }
0x5: {  	s17 =	simm.s32 $0x6300;
	s18 =	simm.s32 $0x9;
	s19 =	simm.s32 $0x1  }
0x6: {  	s21 =	simm.s32 $0x7700;
	s22 =	simm.s32 $0x2;
	s25 =	simm.s32 $0x8B00  }
0x7: {  	s26 =	simm.s32 $0x3;
	s29 =	simm.s32 $0x5;
	s31 =	simm.s32 $0x4  }
0x8: {  	s23 =	simm.s32 $0x7;
	s24 =	simm.s32 $0x8;
	s7 =	smul.u32 $0x14000, s9  }
0x9: {  	s0 =	sand.u32 $0x1, s0;
	[smem:$0x7FF] =	sst s4;
	s8 =	smul.u32 $0x50000, s9  }
0xa: {  	s1 =	sshll.u32 s0, $0x4;
	s5 =	smul.u32 $0x140000, s0;
	s0 =	ssub.s32 $0x2, s0  }
0xb: {  	_ =	strace $0x8000004A;
	s1 =	sor.u32 s9, s1;
	s28 =	sshrl.u32 s0, $0x1  }
0xc: {  	s30 =	sshrl.u32 s8, $0x2;
	s1 =	smul.u32 $0x4E2, s1;
	s5 =	sadd.s32 s7, s5  }
0xd: {  	s0 =	ssub.s32 s0, s28;
	s12 =	sadd.s32 s30, s3;
	s7 =	sshrl.u32 s5, $0x3  }
0xe: {  	s5 =	sadd.s32 $0x16A00, s6;
	s11 =	smax.u32 s0, $0x1;
	s12 =	sshrl.u32 s12, $0x3  }
0xf: {  	s1 =	sadd.s32 s1, s6;
	s10 =	sadd.s32 s7, s6;
	s6 =	sshll.u32 s9, $0x6  }
0x10: {  	s0 =	simm.s32 $0x6;
	s7 =	sor.u32 $0x1C09, s6;
	s8 =	sadd.s32 $0xC400, s1  }
0x11: {  	s9 =	sadd.s32 $0x2600, s1;
	s10 =	sadd.s32 $0x19200, s10;
	s1 =	simm.s32 $0x0  }
.LBB2_1:
0x12: {  	[spmem:s12], [sflag:s7] =	dma.local [hbm:s5], $0x2800  }
0x13: {  	[tilespmem:s4], [sflag:$0xA] =	stream.linear.gather [hbm4b:s8+s4], $0x2710, $0x38;
	[tilespmem:$0x1DF00] =	vst v63  }
0x14: {  	_ =	swait.ge [sflag:s13], $0x2710  }
0x15: {  	[sflag:s13] =	ssyncset.done $0x0  }
0x16: {  	[sflag:s13] =	ssyncadd.s32 $0xFFFFD8F0  }
0x17: {  	[tilespmem:s14], [sflag:$0xA] =	stream.linear.gather [hbm4b:s9+s4], $0x2710, $0x38;
	[tilespmem:$0x1DF00] =	vst v63  }
0x18: {  	_ =	swait.ge [sflag:s13], $0x2710  }
0x19: {  	[sflag:s13] =	ssyncset.done $0x0  }
0x1a: {  	[sflag:s13] =	ssyncadd.s32 $0xFFFFD8F0  }
0x1b: {  	[tilespmem:s16], [sflag:$0x1] =	stream.indirect.gather [hbm4b:s2+s15], $0x80, s4, s15, $0xb8;
	[tilespmem:$0x1DF00] =	vst v63  }
0x1c: {  	_ = 	snop  }
0x1d: {  	[tilespmem:s17], [sflag:$0x2] =	stream.indirect.gather [hbm4b:s2+s15], $0x80, s15, s15, $0xb8;
	[tilespmem:$0x1DF00] =	vst v63  }
0x1e: {  	_ =	swait.ge [sflag:s18], $0x2800  }
0x1f: {  	[sflag:s18] =	ssyncset.done $0x0  }
0x20: {  	[sflag:s18] =	ssyncadd.s32 $0xFFFFD800  }
0x21: {  	[bflag:$0x0] =	sbarrier.arrive $0xFFFF  }
0x22: {  	_ =	swait.ge [sflag:s19], $0x1400  }
0x23: {  	[sflag:s19] =	ssyncset.done $0x0  }
0x24: {  	[sflag:s19] =	ssyncadd.s32 $0xFFFFEC00  }
0x25: {  	[spmem:s3] =	stream.indirect.scatter.add.f32 [tilespmem:s16], [sflag:$0x5], $0x80, s14, s15, $0xb8;
	[tilespmem:$0x1DF00] =	vst v63  }
0x26: {  	s20 =	simm.s32 $0x50  }
0x27: {  	[tilespmem:s21], [sflag:$0x3] =	stream.indirect.gather [hbm4b:s2+s15], $0x80, s20, s15, $0xb8;
	[tilespmem:$0x1DF00] =	vst v63  }
0x28: {  	_ =	swait.ge [sflag:s22], $0x1400  }
0x29: {  	[sflag:s22] =	ssyncset.done $0x0  }
0x2a: {  	s30 =	simm.s32 $0x27A8;
	[sflag:s22] =	ssyncadd.s32 $0xFFFFEC00  }
0x2b: {  	[spmem:s3] =	stream.indirect.scatter.add.f32 [tilespmem:s17], [sflag:$0x6], $0x80, s30, s15, $0xb8;
	[tilespmem:$0x1DF00] =	vst v63  }
0x2c: {  	s30 =	simm.s32 $0x78  }
0x2d: {  	[tilespmem:s25], [sflag:$0x4] =	stream.indirect.gather [hbm4b:s2+s15], $0x80, s30, s15, $0xb8;
	[tilespmem:$0x1DF00] =	vst v63  }
0x2e: {  	_ =	swait.ge [sflag:s26], $0x1400  }
0x2f: {  	[sflag:s26] =	ssyncset.done $0x0  }
0x30: {  	s30 =	simm.s32 $0x27D0;
	[sflag:s26] =	ssyncadd.s32 $0xFFFFEC00  }
0x31: {  	[spmem:s3] =	stream.indirect.scatter.add.f32 [tilespmem:s21], [sflag:$0x7], $0x80, s30, s15, $0xb8;
	[tilespmem:$0x1DF00] =	vst v63  }
0x32: {  	_ =	swait.ge [sflag:s29], $0x1400  }
0x33: {  	[sflag:s29] =	ssyncset.done $0x0  }
0x34: {  	s30 =	simm.s32 $0xA0;
	[sflag:s29] =	ssyncadd.s32 $0xFFFFEC00  }
0x35: {  	[tilespmem:s16], [sflag:$0x1] =	stream.indirect.gather [hbm4b:s2+s15], $0x80, s30, s15, $0xb8;
	[tilespmem:$0x1DF00] =	vst v63  }
0x36: {  	_ =	swait.ge [sflag:s31], $0x1400  }
0x37: {  	[sflag:s31] =	ssyncset.done $0x0  }
0x38: {  	s30 =	simm.s32 $0x27F8;
	[sflag:s31] =	ssyncadd.s32 $0xFFFFEC00  }
0x39: {  	[spmem:s3] =	stream.indirect.scatter.add.f32 [tilespmem:s25], [sflag:$0x8], $0x80, s30, s15, $0xb8;
	[tilespmem:$0x1DF00] =	vst v63  }
0x3a: {  	_ =	swait.ge [sflag:s0], $0x1400  }
0x3b: {  	[sflag:s0] =	ssyncset.done $0x0  }
0x3c: {  	s30 =	simm.s32 $0xC8;
	[sflag:s0] =	ssyncadd.s32 $0xFFFFEC00  }
0x3d: {  	[tilespmem:s17], [sflag:$0x2] =	stream.indirect.gather [hbm4b:s2+s15], $0x80, s30, s15, $0xb8;
	[tilespmem:$0x1DF00] =	vst v63  }
0x3e: {  	_ =	swait.ge [sflag:s19], $0x1400  }
0x3f: {  	[sflag:s19] =	ssyncset.done $0x0  }
0x40: {  	s30 =	simm.s32 $0x2820;
	[sflag:s19] =	ssyncadd.s32 $0xFFFFEC00  }
0x41: {  	[spmem:s3] =	stream.indirect.scatter.add.f32 [tilespmem:s16], [sflag:$0x5], $0x80, s30, s15, $0xb8;
	[tilespmem:$0x1DF00] =	vst v63  }
0x42: {  	_ =	swait.ge [sflag:s23], $0x1400  }
0x43: {  	[sflag:s23] =	ssyncset.done $0x0  }
0x44: {  	s30 =	simm.s32 $0xF0;
	[sflag:s23] =	ssyncadd.s32 $0xFFFFEC00  }
0x45: {  	[tilespmem:s21], [sflag:$0x3] =	stream.indirect.gather [hbm4b:s2+s15], $0x80, s30, s15, $0xb8;
	[tilespmem:$0x1DF00] =	vst v63  }
0x46: {  	_ =	swait.ge [sflag:s22], $0x1400  }
0x47: {  	[sflag:s22] =	ssyncset.done $0x0  }
0x48: {  	s30 =	simm.s32 $0x2848;
	[sflag:s22] =	ssyncadd.s32 $0xFFFFEC00  }
0x49: {  	[spmem:s3] =	stream.indirect.scatter.add.f32 [tilespmem:s17], [sflag:$0x6], $0x80, s30, s15, $0xb8;
	[tilespmem:$0x1DF00] =	vst v63  }
0x4a: {  	_ =	swait.ge [sflag:s24], $0x1400  }
0x4b: {  	[sflag:s24] =	ssyncset.done $0x0  }
0x4c: {  	s30 =	simm.s32 $0x118;
	[sflag:s24] =	ssyncadd.s32 $0xFFFFEC00  }
0x4d: {  	[tilespmem:s25], [sflag:$0x4] =	stream.indirect.gather [hbm4b:s2+s15], $0x80, s30, s15, $0xb8;
	[tilespmem:$0x1DF00] =	vst v63  }
0x4e: {  	_ =	swait.ge [sflag:s26], $0x1400  }
0x4f: {  	[sflag:s26] =	ssyncset.done $0x0  }
0x50: {  	s30 =	simm.s32 $0x2870;
	[sflag:s26] =	ssyncadd.s32 $0xFFFFEC00  }
0x51: {  	[spmem:s3] =	stream.indirect.scatter.add.f32 [tilespmem:s21], [sflag:$0x7], $0x80, s30, s15, $0xb8;
	[tilespmem:$0x1DF00] =	vst v63  }
0x52: {  	_ =	swait.ge [sflag:s29], $0x1400  }
0x53: {  	[sflag:s29] =	ssyncset.done $0x0  }
0x54: {  	s30 =	simm.s32 $0x140;
	[sflag:s29] =	ssyncadd.s32 $0xFFFFEC00  }
0x55: {  	[tilespmem:s16], [sflag:$0x1] =	stream.indirect.gather [hbm4b:s2+s15], $0x80, s30, s15, $0xb8;
	[tilespmem:$0x1DF00] =	vst v63  }
0x56: {  	_ =	swait.ge [sflag:s31], $0x1400  }
0x57: {  	[sflag:s31] =	ssyncset.done $0x0  }
0x58: {  	s30 =	simm.s32 $0x2898;
	[sflag:s31] =	ssyncadd.s32 $0xFFFFEC00  }
0x59: {  	[spmem:s3] =	stream.indirect.scatter.add.f32 [tilespmem:s25], [sflag:$0x8], $0x80, s30, s15, $0xb8;
	[tilespmem:$0x1DF00] =	vst v63  }
0x5a: {  	_ =	swait.ge [sflag:s0], $0x1400  }
0x5b: {  	[sflag:s0] =	ssyncset.done $0x0  }
0x5c: {  	s28 =	simm.s32 $0x168;
	s20 =	simm.s32 $0x280;
	[sflag:s0] =	ssyncadd.s32 $0xFFFFEC00  }
.LBB2_2:
0x5d: {  	[tilespmem:s17], [sflag:$0x2] =	stream.indirect.gather [hbm4b:s2+s15], $0x80, s28, s15, $0xb8;
	[tilespmem:$0x1DF00] =	vst v63  }
0x5e: {  	s28 =	smov.u32 s20  }
0x5f: {  	p0 =	sne.s32 s20, $0x9600;
	s20 =	sadd.s32 $0x280, s20;
	_ =	swait.ge [sflag:s19], $0x1400  }
0x60: {  	s28 =	sshra.s32 s28, $0x2;
	[sflag:s19] =	ssyncset.done $0x0  }
0x61: {  	s30 =	sadd.s32 $0x2820, s28;
	[sflag:s19] =	ssyncadd.s32 $0xFFFFEC00  }
0x62: {  	[spmem:s3] =	stream.indirect.scatter.add.f32 [tilespmem:s16], [sflag:$0x5], $0x80, s30, s15, $0xb8;
	[tilespmem:$0x1DF00] =	vst v63  }
0x63: {  	_ =	swait.ge [sflag:s23], $0x1400  }
0x64: {  	[sflag:s23] =	ssyncset.done $0x0  }
0x65: {  	s30 =	sadd.s32 $0xF0, s28;
	[sflag:s23] =	ssyncadd.s32 $0xFFFFEC00  }
0x66: {  	[tilespmem:s21], [sflag:$0x3] =	stream.indirect.gather [hbm4b:s2+s15], $0x80, s30, s15, $0xb8;
	[tilespmem:$0x1DF00] =	vst v63  }
0x67: {  	_ =	swait.ge [sflag:s22], $0x1400  }
0x68: {  	[sflag:s22] =	ssyncset.done $0x0  }
0x69: {  	s30 =	sadd.s32 $0x2848, s28;
	[sflag:s22] =	ssyncadd.s32 $0xFFFFEC00  }
0x6a: {  	[spmem:s3] =	stream.indirect.scatter.add.f32 [tilespmem:s17], [sflag:$0x6], $0x80, s30, s15, $0xb8;
	[tilespmem:$0x1DF00] =	vst v63  }
0x6b: {  	_ =	swait.ge [sflag:s24], $0x1400  }
0x6c: {  	[sflag:s24] =	ssyncset.done $0x0  }
0x6d: {  	s30 =	sadd.s32 $0x118, s28;
	[sflag:s24] =	ssyncadd.s32 $0xFFFFEC00  }
0x6e: {  	[tilespmem:s25], [sflag:$0x4] =	stream.indirect.gather [hbm4b:s2+s15], $0x80, s30, s15, $0xb8;
	[tilespmem:$0x1DF00] =	vst v63  }
0x6f: {  	_ =	swait.ge [sflag:s26], $0x1400  }
0x70: {  	[sflag:s26] =	ssyncset.done $0x0  }
0x71: {  	s30 =	sadd.s32 $0x2870, s28;
	[sflag:s26] =	ssyncadd.s32 $0xFFFFEC00  }
0x72: {  	[spmem:s3] =	stream.indirect.scatter.add.f32 [tilespmem:s21], [sflag:$0x7], $0x80, s30, s15, $0xb8;
	[tilespmem:$0x1DF00] =	vst v63  }
0x73: {  	_ =	swait.ge [sflag:s29], $0x1400  }
0x74: {  	[sflag:s29] =	ssyncset.done $0x0  }
0x75: {  	s30 =	sadd.s32 $0x140, s28;
	[sflag:s29] =	ssyncadd.s32 $0xFFFFEC00  }
0x76: {  	[tilespmem:s16], [sflag:$0x1] =	stream.indirect.gather [hbm4b:s2+s15], $0x80, s30, s15, $0xb8;
	[tilespmem:$0x1DF00] =	vst v63  }
0x77: {  	_ =	swait.ge [sflag:s31], $0x1400  }
0x78: {  	[sflag:s31] =	ssyncset.done $0x0  }
.Ltmp0:
0x79: {  	s30 =	sadd.s32 $0x2898, s28;
	[sflag:s31] =	ssyncadd.s32 $0xFFFFEC00;
	(pc) =	sbr.rel @p0 .LBB2_2-.Ltmp0, $4  }
0x7a: {  	[spmem:s3] =	stream.indirect.scatter.add.f32 [tilespmem:s25], [sflag:$0x8], $0x80, s30, s15, $0xb8;
	[tilespmem:$0x1DF00] =	vst v63  }
0x7b: {  	_ =	swait.ge [sflag:s0], $0x1400  }
0x7c: {  	[sflag:s0] =	ssyncset.done $0x0  }
0x7d: {  	s28 =	sadd.s32 $0x168, s28;
	[sflag:s0] =	ssyncadd.s32 $0xFFFFEC00  }
0x7e: {  	[tilespmem:s17], [sflag:$0x2] =	stream.indirect.gather [hbm4b:s2+s15], $0x80, s28, s15, $0xb8;
	[tilespmem:$0x1DF00] =	vst v63  }
0x7f: {  	_ =	swait.ge [sflag:s19], $0x1400  }
0x80: {  	[sflag:s19] =	ssyncset.done $0x0  }
0x81: {  	s20 =	simm.s32 $0x4E40;
	[sflag:s19] =	ssyncadd.s32 $0xFFFFEC00  }
0x82: {  	[spmem:s3] =	stream.indirect.scatter.add.f32 [tilespmem:s16], [sflag:$0x5], $0x80, s20, s15, $0xb8;
	[tilespmem:$0x1DF00] =	vst v63  }
0x83: {  	_ =	swait.ge [sflag:s23], $0x1400  }
0x84: {  	[sflag:s23] =	ssyncset.done $0x0  }
0x85: {  	[sflag:s23] =	ssyncadd.s32 $0xFFFFEC00  }
0x86: {  	_ =	swait.ge [sflag:s22], $0x1400  }
0x87: {  	[sflag:s22] =	ssyncset.done $0x0  }
0x88: {  	s28 =	simm.s32 $0x4E68;
	[sflag:s22] =	ssyncadd.s32 $0xFFFFEC00  }
0x89: {  	[spmem:s3] =	stream.indirect.scatter.add.f32 [tilespmem:s17], [sflag:$0x6], $0x80, s28, s15, $0xb8;
	[tilespmem:$0x1DF00] =	vst v63  }
0x8a: {  	_ =	swait.ge [sflag:s24], $0x1400  }
0x8b: {  	[sflag:s24] =	ssyncset.done $0x0  }
0x8c: {  	[sflag:s24] =	ssyncadd.s32 $0xFFFFEC00  }
0x8d: {  	_ =	swait.ge [sflag:s29], $0x1400  }
0x8e: {  	[sflag:s29] =	ssyncset.done $0x0  }
0x8f: {  	[sflag:s29] =	ssyncadd.s32 $0xFFFFEC00  }
0x90: {  	_ =	swait.ge [sflag:s0], $0x1400  }
0x91: {  	s1 =	sadd.s32 $0x1, s1;
	[sflag:s0] =	ssyncset.done $0x0  }
0x92: {  	p0 =	sne.s32 s1, s11;
	[sflag:s0] =	ssyncadd.s32 $0xFFFFEC00  }
.Ltmp1:
0x93: {  	s30 =	sor.u32 $0x1C0A, s6;
	[bflag:$0x0] =	sbarrier.arrive $0xFFFF;
	(pc) =	sbr.rel @p0 .LBB2_1-.Ltmp1, $4  }
0x94: {  	[hbm:s10], [sflag:s30] =	dma.local [spmem:s12], $0x2800  }
0x95: {  	_ =	swait.ge [sflag:s13], $0x2800  }
0x96: {  	[sflag:s13] =	ssyncset.done $0x0  }
0x97: {  	[sflag:s13] =	ssyncadd.s32 $0xFFFFD800  }
0x98: {  	_ =	sfence.sel $0x180000  }
0x99: {  	[bflag:$0x0] =	sbarrier.arrive $0xFFFF  }
0x9a: {  	_ =	strace $0x9000004A  }
0x9b: {  	s0 =	stileid.u32;
	[bflag:$0x2] =	sbarrier.arrive $0xFFFF  }
0x9c: {  	p0 =	sne.s32 s0, $0x0;
	s0 =	rddreg [dreg:$0x3]  }
0x9d: {  	s0 =	sadd.s32 @!p0 $0x100000, s0  }
0x9e: {  	[sflag:s0] =	ssyncadd.tile.s32 @!p0 $0x1;
	_ =	shalt  }
.Lfunc_end2:
_tile_overlayer_lowered:
.L_overlay_start_2:
0x9f: {  	(tag) =	ssettag $0x2  }
0xa0: {  	s0 =	rddreg [dreg:$0x0];
	s2 =	stileid.u32  }
0xa1: {  	s1 =	rddreg [dreg:$0x1];
	p0 =	sne.s32 s2, $0x0  }
0xa2: {  	s3 =	rddreg [dreg:$0x2];
	[bflag:$0x3] =	sbarrier.arrive $0xFFFF;
	s2 =	simm.s32 @!p0 $0x1C0A  }
0xa3: {  	[timem:s3], [sflag:s2] =	dma.local @!p0 [hbm:s0], s1  }
0xa4: {  	s0 =	simm.s32 @!p0 $0xA  }
0xa5: {  	_ =	swait.ge @!p0 [sflag:s0], s1  }
0xa6: {  	s1 =	ssub.s32 @!p0 $0x0, s1;
	[sflag:s0] =	ssyncset.done @!p0 $0x0  }
0xa7: {  	[sflag:s0] =	ssyncadd.s32 @!p0 s1  }
0xa8: {  	[bflag:$0x3] =	sbarrier.arrive $0xFFFF  }
0xa9: {  	_ =	shalt  }

</sc_bundles>
